<compile_context>
chip_gen: v7x
topology: tpu7x:2x2x1
jax: 0.10.2.dev20260603
libtpu: 0.0.44.dev20260713+nightly
codegen_flags: <defaults>
</compile_context>

<pallas_src>
import functools

import jax
import jax.numpy as jnp
from jax import lax
from jax.experimental import pallas as pl
from jax.experimental.pallas import tpu as pltpu
from jax.experimental.pallas import tpu_sc as plsc

D = 64
VOCAB = 1000000
NW = 32
NBUF = 4
SCALE = 8.0
ABLK = 4096


@functools.cache
def _build(batch: int, hist: int):
    assert batch == NW * 128
    nh = hist
    per_chunk = 128 * D

    def dott(x, eye):
        return lax.dot_general(
            x, eye, (((0,), (0,)), ((), ())),
            preferred_element_type=jnp.float32,
        )

    def a_body(tt_ref, eye_ref, out_ref):
        t = dott(tt_ref[...] * SCALE, eye_ref[...])
        out_ref[...] = jnp.concatenate([t[: ABLK // 2], t[ABLK // 2 :]], 1)

    stage_a = pl.pallas_call(
        a_body,
        grid=(pl.cdiv(VOCAB, ABLK),),
        in_specs=[
            pl.BlockSpec((D, ABLK), lambda j: (0, j)),
            pl.BlockSpec((D, D), lambda j: (0, 0)),
        ],
        out_specs=pl.BlockSpec((ABLK // 2, 128), lambda j: (j, 0)),
        out_shape=jax.ShapeDtypeStruct(
            (pl.cdiv(VOCAB, ABLK) * ABLK * D // 128, 128), jnp.float32
        ),
    )

    mesh = plsc.VectorSubcoreMesh(core_axis_name="c", subcore_axis_name="s")
    ngrp = nh // NBUF
    assert nh == ngrp * NBUF

    RING = 2 * NBUF
    assert nh % RING == 0

    @functools.partial(
        pl.kernel,
        out_type=jax.ShapeDtypeStruct((nh * NW, 128, D), jnp.float32),
        mesh=mesh,
        scratch_types=[
            pltpu.VMEM((nh, 128), jnp.int32),
            pltpu.VMEM((RING, 128, D), jnp.float32),
        ]
        + [pltpu.SemaphoreType.DMA] * (2 * RING),
        compiler_params=pltpu.CompilerParams(use_tc_tiling_on_sc=False),
    )
    def stage_b(xt_hbm, t2_hbm, out_hbm, idx_v, g_v, *sems):
        gsem = sems[:RING]
        ssem = sems[RING:]
        wid = lax.axis_index("s") * 2 + lax.axis_index("c")
        pltpu.sync_copy(xt_hbm.at[wid], idx_v)

        for b in range(NBUF):
            pltpu.async_copy(t2_hbm.at[idx_v.at[b]], g_v.at[b], gsem[b])

        def group(hg, carry):
            for b in range(RING):
                h = hg * RING + b
                bn = (b + NBUF) % RING
                pltpu.make_async_copy(
                    t2_hbm.at[idx_v.at[h]], g_v.at[b], gsem[b]
                ).wait()

                @pl.when(h >= NBUF)
                def _():
                    pltpu.make_async_copy(
                        g_v.at[bn], out_hbm.at[(h - NBUF) * NW + wid],
                        ssem[bn],
                    ).wait()

                @pl.when(h + NBUF < nh)
                def _():
                    pltpu.async_copy(
                        t2_hbm.at[idx_v.at[h + NBUF]], g_v.at[bn], gsem[bn]
                    )

                pltpu.async_copy(g_v.at[b], out_hbm.at[h * NW + wid], ssem[b])
            return carry

        lax.fori_loop(0, nh // RING, group, 0)

        for b in range(NBUF):
            h = nh - NBUF + b
            pltpu.make_async_copy(
                g_v.at[h % RING], out_hbm.at[h * NW + wid], ssem[h % RING]
            ).wait()

    CQ = 8

    def c_body(in_ref, eye_ref, out_ref):
        eye = eye_ref[...]
        for i in range(CQ):
            v = in_ref[pl.ds(i * D, D), :]
            out_ref[0, :, pl.ds(i * 128, 128)] = jnp.concatenate(
                [dott(v[:, :D], eye), dott(v[:, D:], eye)], 1
            )

    stage_c = pl.pallas_call(
        c_body,
        grid=(nh, NW // CQ),
        in_specs=[
            pl.BlockSpec((CQ * D, 128), lambda h, q: (h * (NW // CQ) + q, 0)),
            pl.BlockSpec((D, D), lambda h, q: (0, 0)),
        ],
        out_specs=pl.BlockSpec(
            (1, D, CQ * 128), lambda h, q: (h, 0, q)
        ),
        out_shape=jax.ShapeDtypeStruct((nh, D, batch), jnp.float32),
    )

    return stage_a, stage_b, stage_c


def kernel(x, table):
    batch, hist = x.shape
    stage_a, stage_b, stage_c = _build(batch, hist)
    eye = jnp.eye(D, dtype=jnp.float32)
    t1 = stage_a(table.T, eye)
    hb = ABLK // 2
    xq = ((x & ~(ABLK - 1)) | ((x & (hb - 1)) << 1) | ((x // hb) & 1)).astype(
        jnp.int32
    )
    xt = (
        xq.T.reshape(hist, NW, 2, D)
        .transpose(1, 0, 3, 2)
        .reshape(NW, hist, 128)
    )
    flat = stage_b(xt, t1.reshape(t1.shape[0] * 2, D))
    o3 = stage_c(flat.reshape(batch * hist * D // 128, 128), eye)
    return o3.transpose(2, 0, 1)

# --- scband reference (transcript-rebuilt; emitter-appended) ---
"""Pipeline reference for scband-embeddings-25297357373879 (READ-ONLY COPY).

The authoritative reference and input builder live on the scoring server;
editing this copy changes nothing except your own understanding.
"""

import jax, jax.numpy as jnp
import numpy as np
import math

D_MODEL = 64
VOCAB = 1000000
BATCH = 4096
HIST = 200

def setup_inputs(seed: int = 0) -> dict:
    key = jax.random.key(seed)
    k1, k2 = jax.random.split(key)
    x = jax.random.randint(k1, (BATCH, HIST), 0, VOCAB, dtype=jnp.int64 if jax.config.jax_enable_x64 else jnp.int32)
    table = jax.random.normal(k2, (VOCAB, D_MODEL), dtype=jnp.float32)
    return {"x": x, "table": table}

def reference(x, table) -> jnp.ndarray:
    # Embedding lookup (gather) followed by scale by sqrt(d_model)
    emb = jnp.take(table, x, axis=0)
    return emb * math.sqrt(D_MODEL)

if __name__ == "__main__":
    import jax
    _d = setup_inputs()
    print(jax.jit(kernel)(*tuple(_d.values())))

</pallas_src>

<mosaic_0001>
#map = affine_map<(d0, d1) -> (0, 0, 0)>
#map1 = affine_map<(d0, d1) -> (0, 0)>
module attributes {stable_mosaic.version = 14 : i64} {
  func.func @stage_b(%arg0: i32, %arg1: i32, %arg2: memref<32x200x128xi32, #tpu.memory_space<hbm>>, %arg3: memref<1003520x64xf32, #tpu.memory_space<hbm>>, %arg4: memref<6400x128x64xf32, #tpu.memory_space<hbm>>, %arg5: memref<200x128xi32, #tpu.memory_space<vmem>>, %arg6: memref<8x128x64xf32, #tpu.memory_space<vmem>>, %arg7: memref<!tpu.dma_semaphore, #tpu.memory_space<semaphore_mem>>, %arg8: memref<!tpu.dma_semaphore, #tpu.memory_space<semaphore_mem>>, %arg9: memref<!tpu.dma_semaphore, #tpu.memory_space<semaphore_mem>>, %arg10: memref<!tpu.dma_semaphore, #tpu.memory_space<semaphore_mem>>, %arg11: memref<!tpu.dma_semaphore, #tpu.memory_space<semaphore_mem>>, %arg12: memref<!tpu.dma_semaphore, #tpu.memory_space<semaphore_mem>>, %arg13: memref<!tpu.dma_semaphore, #tpu.memory_space<semaphore_mem>>, %arg14: memref<!tpu.dma_semaphore, #tpu.memory_space<semaphore_mem>>, %arg15: memref<!tpu.dma_semaphore, #tpu.memory_space<semaphore_mem>>, %arg16: memref<!tpu.dma_semaphore, #tpu.memory_space<semaphore_mem>>, %arg17: memref<!tpu.dma_semaphore, #tpu.memory_space<semaphore_mem>>, %arg18: memref<!tpu.dma_semaphore, #tpu.memory_space<semaphore_mem>>, %arg19: memref<!tpu.dma_semaphore, #tpu.memory_space<semaphore_mem>>, %arg20: memref<!tpu.dma_semaphore, #tpu.memory_space<semaphore_mem>>, %arg21: memref<!tpu.dma_semaphore, #tpu.memory_space<semaphore_mem>>, %arg22: memref<!tpu.dma_semaphore, #tpu.memory_space<semaphore_mem>>) attributes {dimension_semantics = [#tpu.dimension_semantics<core_parallel>, #tpu.dimension_semantics<subcore_parallel>], iteration_bounds = array<i64: 2, 16>, scalar_prefetch = 0 : i64, scratch_operands = 18 : i64, tpu.core_type = #tpu.core_type<sc_vector_subcore>, window_params = [{transform_indices = #map}, {transform_indices = #map1}, {transform_indices = #map}]} {
    %mul3A = arith.constant 2 : i32
    %mul3A_0 = arith.muli %arg1, %mul3A : i32
    %add3A = arith.addi %mul3A_0, %arg0 : i32
    "tpu.region"() ({
      %run_scoped3A = tpu.sem_alloc : memref<!tpu.dma_semaphore, #tpu.memory_space<semaphore_mem>>
      %dma_start3A_128 = arith.constant 0 : i32
      %dma_start3A_129 = arith.constant 0 : i32
      %dma_start3A_130 = tpu.memref_slice %arg2[%add3A, %dma_start3A_128, %dma_start3A_129] : memref<32x200x128xi32, #tpu.memory_space<hbm>> -> memref<1x200x128xi32, #tpu.memory_space<hbm>>
      %dma_start3A_131 = tpu.memref_squeeze %dma_start3A_130 : memref<1x200x128xi32, #tpu.memory_space<hbm>> -> memref<200x128xi32, #tpu.memory_space<hbm>>
      %dma_start3A_132 = arith.constant 0 : i32
      %dma_start3A_133 = arith.constant 0 : i32
      %dma_start3A_134 = tpu.memref_slice %arg2[%add3A, %dma_start3A_132, %dma_start3A_133] : memref<32x200x128xi32, #tpu.memory_space<hbm>> -> memref<1x200x128xi32, #tpu.memory_space<hbm>>
      %dma_start3A_135 = tpu.memref_squeeze %dma_start3A_134 : memref<1x200x128xi32, #tpu.memory_space<hbm>> -> memref<200x128xi32, #tpu.memory_space<hbm>>
      tpu.enqueue_dma source(%dma_start3A_135 : memref<200x128xi32, #tpu.memory_space<hbm>>) target(%arg5 : memref<200x128xi32, #tpu.memory_space<vmem>>) target_semaphore(%run_scoped3A : memref<!tpu.dma_semaphore, #tpu.memory_space<semaphore_mem>>)
      %dma_wait3A_136 = arith.constant 0 : i32
      %dma_wait3A_137 = arith.constant 0 : i32
      %dma_wait3A_138 = tpu.memref_slice %arg2[%add3A, %dma_wait3A_136, %dma_wait3A_137] : memref<32x200x128xi32, #tpu.memory_space<hbm>> -> memref<1x200x128xi32, #tpu.memory_space<hbm>>
      %dma_wait3A_139 = tpu.memref_squeeze %dma_wait3A_138 : memref<1x200x128xi32, #tpu.memory_space<hbm>> -> memref<200x128xi32, #tpu.memory_space<hbm>>
      %dma_wait3A_140 = arith.constant 0 : i32
      %dma_wait3A_141 = arith.constant 0 : i32
      %dma_wait3A_142 = tpu.memref_slice %arg2[%add3A, %dma_wait3A_140, %dma_wait3A_141] : memref<32x200x128xi32, #tpu.memory_space<hbm>> -> memref<1x200x128xi32, #tpu.memory_space<hbm>>
      %dma_wait3A_143 = tpu.memref_squeeze %dma_wait3A_142 : memref<1x200x128xi32, #tpu.memory_space<hbm>> -> memref<200x128xi32, #tpu.memory_space<hbm>>
      tpu.wait_dma2 semaphore(%run_scoped3A : memref<!tpu.dma_semaphore, #tpu.memory_space<semaphore_mem>>) src(%dma_wait3A_143 : memref<200x128xi32, #tpu.memory_space<hbm>>) dst(%arg5 : memref<200x128xi32, #tpu.memory_space<vmem>>)
      tpu.yield
    }) : () -> ()
    %dma_start3A = arith.constant 0 : i32
    %dma_start3A_1 = arith.constant 0 : i32
    %dma_start3A_2 = arith.constant 0 : i32
    %dma_start3A_3 = arith.constant 0 : i32
    %dma_start3A_4 = tpu.memref_slice %arg6[%dma_start3A_1, %dma_start3A_2, %dma_start3A_3] : memref<8x128x64xf32, #tpu.memory_space<vmem>> -> memref<1x128x64xf32, #tpu.memory_space<vmem>>
    %dma_start3A_5 = tpu.memref_squeeze %dma_start3A_4 : memref<1x128x64xf32, #tpu.memory_space<vmem>> -> memref<128x64xf32, #tpu.memory_space<vmem>>
    %dma_start3A_6 = arith.constant 0 : i32
    %dma_start3A_7 = tpu.memref_slice %arg5[%dma_start3A, %dma_start3A_6] : memref<200x128xi32, #tpu.memory_space<vmem>> -> memref<1x128xi32, #tpu.memory_space<vmem>>
    %dma_start3A_8 = tpu.memref_squeeze %dma_start3A_7 : memref<1x128xi32, #tpu.memory_space<vmem>> -> memref<128xi32, #tpu.memory_space<vmem>>
    %dma_start3A_9 = arith.constant 0 : i32
    %dma_start3A_10 = arith.constant 0 : i32
    %dma_start3A_11 = tpu.memref_slice %arg3[%dma_start3A_9, %dma_start3A_10] : memref<1003520x64xf32, #tpu.memory_space<hbm>> -> memref<1003520x64xf32, #tpu.memory_space<hbm>>
    tpu.enqueue_indirect_dma source(%dma_start3A_11 : memref<1003520x64xf32, #tpu.memory_space<hbm>>) target(%dma_start3A_5 : memref<128x64xf32, #tpu.memory_space<vmem>>) offsets(%dma_start3A_8 : memref<128xi32, #tpu.memory_space<vmem>>) semaphore(%arg7 : memref<!tpu.dma_semaphore, #tpu.memory_space<semaphore_mem>>)
    %dma_start3A_12 = arith.constant 1 : i32
    %dma_start3A_13 = arith.constant 1 : i32
    %dma_start3A_14 = arith.constant 0 : i32
    %dma_start3A_15 = arith.constant 0 : i32
    %dma_start3A_16 = tpu.memref_slice %arg6[%dma_start3A_13, %dma_start3A_14, %dma_start3A_15] : memref<8x128x64xf32, #tpu.memory_space<vmem>> -> memref<1x128x64xf32, #tpu.memory_space<vmem>>
    %dma_start3A_17 = tpu.memref_squeeze %dma_start3A_16 : memref<1x128x64xf32, #tpu.memory_space<vmem>> -> memref<128x64xf32, #tpu.memory_space<vmem>>
    %dma_start3A_18 = arith.constant 0 : i32
    %dma_start3A_19 = tpu.memref_slice %arg5[%dma_start3A_12, %dma_start3A_18] : memref<200x128xi32, #tpu.memory_space<vmem>> -> memref<1x128xi32, #tpu.memory_space<vmem>>
    %dma_start3A_20 = tpu.memref_squeeze %dma_start3A_19 : memref<1x128xi32, #tpu.memory_space<vmem>> -> memref<128xi32, #tpu.memory_space<vmem>>
    %dma_start3A_21 = arith.constant 0 : i32
    %dma_start3A_22 = arith.constant 0 : i32
    %dma_start3A_23 = tpu.memref_slice %arg3[%dma_start3A_21, %dma_start3A_22] : memref<1003520x64xf32, #tpu.memory_space<hbm>> -> memref<1003520x64xf32, #tpu.memory_space<hbm>>
    tpu.enqueue_indirect_dma source(%dma_start3A_23 : memref<1003520x64xf32, #tpu.memory_space<hbm>>) target(%dma_start3A_17 : memref<128x64xf32, #tpu.memory_space<vmem>>) offsets(%dma_start3A_20 : memref<128xi32, #tpu.memory_space<vmem>>) semaphore(%arg8 : memref<!tpu.dma_semaphore, #tpu.memory_space<semaphore_mem>>)
    %dma_start3A_24 = arith.constant 2 : i32
    %dma_start3A_25 = arith.constant 2 : i32
    %dma_start3A_26 = arith.constant 0 : i32
    %dma_start3A_27 = arith.constant 0 : i32
    %dma_start3A_28 = tpu.memref_slice %arg6[%dma_start3A_25, %dma_start3A_26, %dma_start3A_27] : memref<8x128x64xf32, #tpu.memory_space<vmem>> -> memref<1x128x64xf32, #tpu.memory_space<vmem>>
    %dma_start3A_29 = tpu.memref_squeeze %dma_start3A_28 : memref<1x128x64xf32, #tpu.memory_space<vmem>> -> memref<128x64xf32, #tpu.memory_space<vmem>>
    %dma_start3A_30 = arith.constant 0 : i32
    %dma_start3A_31 = tpu.memref_slice %arg5[%dma_start3A_24, %dma_start3A_30] : memref<200x128xi32, #tpu.memory_space<vmem>> -> memref<1x128xi32, #tpu.memory_space<vmem>>
    %dma_start3A_32 = tpu.memref_squeeze %dma_start3A_31 : memref<1x128xi32, #tpu.memory_space<vmem>> -> memref<128xi32, #tpu.memory_space<vmem>>
    %dma_start3A_33 = arith.constant 0 : i32
    %dma_start3A_34 = arith.constant 0 : i32
    %dma_start3A_35 = tpu.memref_slice %arg3[%dma_start3A_33, %dma_start3A_34] : memref<1003520x64xf32, #tpu.memory_space<hbm>> -> memref<1003520x64xf32, #tpu.memory_space<hbm>>
    tpu.enqueue_indirect_dma source(%dma_start3A_35 : memref<1003520x64xf32, #tpu.memory_space<hbm>>) target(%dma_start3A_29 : memref<128x64xf32, #tpu.memory_space<vmem>>) offsets(%dma_start3A_32 : memref<128xi32, #tpu.memory_space<vmem>>) semaphore(%arg9 : memref<!tpu.dma_semaphore, #tpu.memory_space<semaphore_mem>>)
    %dma_start3A_36 = arith.constant 3 : i32
    %dma_start3A_37 = arith.constant 3 : i32
    %dma_start3A_38 = arith.constant 0 : i32
    %dma_start3A_39 = arith.constant 0 : i32
    %dma_start3A_40 = tpu.memref_slice %arg6[%dma_start3A_37, %dma_start3A_38, %dma_start3A_39] : memref<8x128x64xf32, #tpu.memory_space<vmem>> -> memref<1x128x64xf32, #tpu.memory_space<vmem>>
    %dma_start3A_41 = tpu.memref_squeeze %dma_start3A_40 : memref<1x128x64xf32, #tpu.memory_space<vmem>> -> memref<128x64xf32, #tpu.memory_space<vmem>>
    %dma_start3A_42 = arith.constant 0 : i32
    %dma_start3A_43 = tpu.memref_slice %arg5[%dma_start3A_36, %dma_start3A_42] : memref<200x128xi32, #tpu.memory_space<vmem>> -> memref<1x128xi32, #tpu.memory_space<vmem>>
    %dma_start3A_44 = tpu.memref_squeeze %dma_start3A_43 : memref<1x128xi32, #tpu.memory_space<vmem>> -> memref<128xi32, #tpu.memory_space<vmem>>
    %dma_start3A_45 = arith.constant 0 : i32
    %dma_start3A_46 = arith.constant 0 : i32
    %dma_start3A_47 = tpu.memref_slice %arg3[%dma_start3A_45, %dma_start3A_46] : memref<1003520x64xf32, #tpu.memory_space<hbm>> -> memref<1003520x64xf32, #tpu.memory_space<hbm>>
    tpu.enqueue_indirect_dma source(%dma_start3A_47 : memref<1003520x64xf32, #tpu.memory_space<hbm>>) target(%dma_start3A_41 : memref<128x64xf32, #tpu.memory_space<vmem>>) offsets(%dma_start3A_44 : memref<128xi32, #tpu.memory_space<vmem>>) semaphore(%arg10 : memref<!tpu.dma_semaphore, #tpu.memory_space<semaphore_mem>>)
    %scan3A = arith.constant 0 : i32
    %scan3A_48 = arith.constant 0 : i32
    %scan3A_49 = arith.constant 25 : i32
    %scan3A_50 = arith.addi %scan3A_48, %scan3A_49 : i32
    %scan3A_51 = arith.constant 1 : i32
    scf.for %scan3A_128 = %scan3A_48 to %scan3A_50 step %scan3A_51  : i32 {
      %mul3A_129 = arith.constant 8 : i32
      %mul3A_130 = arith.muli %scan3A_128, %mul3A_129 : i32
      %add3A_131 = arith.constant 0 : i32
      %add3A_132 = arith.addi %mul3A_130, %add3A_131 : i32
      %dma_wait3A_133 = arith.constant 0 : i32
      %dma_wait3A_134 = arith.constant 0 : i32
      %dma_wait3A_135 = arith.constant 0 : i32
      %dma_wait3A_136 = tpu.memref_slice %arg6[%dma_wait3A_133, %dma_wait3A_134, %dma_wait3A_135] : memref<8x128x64xf32, #tpu.memory_space<vmem>> -> memref<1x128x64xf32, #tpu.memory_space<vmem>>
      %dma_wait3A_137 = tpu.memref_squeeze %dma_wait3A_136 : memref<1x128x64xf32, #tpu.memory_space<vmem>> -> memref<128x64xf32, #tpu.memory_space<vmem>>
      %dma_wait3A_138 = arith.constant 0 : i32
      %dma_wait3A_139 = tpu.memref_slice %arg5[%add3A_132, %dma_wait3A_138] : memref<200x128xi32, #tpu.memory_space<vmem>> -> memref<1x128xi32, #tpu.memory_space<vmem>>
      %dma_wait3A_140 = tpu.memref_squeeze %dma_wait3A_139 : memref<1x128xi32, #tpu.memory_space<vmem>> -> memref<128xi32, #tpu.memory_space<vmem>>
      %dma_wait3A_141 = arith.constant 0 : i32
      %dma_wait3A_142 = arith.constant 0 : i32
      %dma_wait3A_143 = tpu.memref_slice %arg3[%dma_wait3A_141, %dma_wait3A_142] : memref<1003520x64xf32, #tpu.memory_space<hbm>> -> memref<1003520x64xf32, #tpu.memory_space<hbm>>
      tpu.wait_indirect_dma semaphore(%arg7 : memref<!tpu.dma_semaphore, #tpu.memory_space<semaphore_mem>>) src(%dma_wait3A_143 : memref<1003520x64xf32, #tpu.memory_space<hbm>>) dst(%dma_wait3A_137 : memref<128x64xf32, #tpu.memory_space<vmem>>)
      %ge3A = arith.constant 4 : i32
      %ge3A_144 = arith.cmpi sge, %add3A_132, %ge3A : i32
      %convert_element_type3A = arith.extui %ge3A_144 : i1 to i32
      %cond3A = arith.constant 0 : i32
      %cond3A_145 = arith.cmpi ne, %convert_element_type3A, %cond3A : i32
      scf.if %cond3A_145 {
        %sub3A = arith.constant 4 : i32
        %sub3A_501 = arith.subi %add3A_132, %sub3A : i32
        %mul3A_502 = arith.constant 32 : i32
        %mul3A_503 = arith.muli %sub3A_501, %mul3A_502 : i32
        %add3A_504 = arith.addi %mul3A_503, %add3A : i32
        %dma_wait3A_505 = arith.constant 4 : i32
        %dma_wait3A_506 = arith.constant 0 : i32
        %dma_wait3A_507 = arith.constant 0 : i32
        %dma_wait3A_508 = tpu.memref_slice %arg6[%dma_wait3A_505, %dma_wait3A_506, %dma_wait3A_507] : memref<8x128x64xf32, #tpu.memory_space<vmem>> -> memref<1x128x64xf32, #tpu.memory_space<vmem>>
        %dma_wait3A_509 = tpu.memref_squeeze %dma_wait3A_508 : memref<1x128x64xf32, #tpu.memory_space<vmem>> -> memref<128x64xf32, #tpu.memory_space<vmem>>
        %dma_wait3A_510 = arith.constant 0 : i32
        %dma_wait3A_511 = arith.constant 0 : i32
        %dma_wait3A_512 = tpu.memref_slice %arg4[%add3A_504, %dma_wait3A_510, %dma_wait3A_511] : memref<6400x128x64xf32, #tpu.memory_space<hbm>> -> memref<1x128x64xf32, #tpu.memory_space<hbm>>
        %dma_wait3A_513 = tpu.memref_squeeze %dma_wait3A_512 : memref<1x128x64xf32, #tpu.memory_space<hbm>> -> memref<128x64xf32, #tpu.memory_space<hbm>>
        %dma_wait3A_514 = arith.constant 0 : i32
        %dma_wait3A_515 = arith.constant 0 : i32
        %dma_wait3A_516 = tpu.memref_slice %arg4[%add3A_504, %dma_wait3A_514, %dma_wait3A_515] : memref<6400x128x64xf32, #tpu.memory_space<hbm>> -> memref<1x128x64xf32, #tpu.memory_space<hbm>>
        %dma_wait3A_517 = tpu.memref_squeeze %dma_wait3A_516 : memref<1x128x64xf32, #tpu.memory_space<hbm>> -> memref<128x64xf32, #tpu.memory_space<hbm>>
        %dma_wait3A_518 = arith.constant 0 : i32
        %dma_wait3A_519 = arith.constant 0 : i32
        %dma_wait3A_520 = tpu.memref_slice %arg6[%dma_wait3A_505, %dma_wait3A_518, %dma_wait3A_519] : memref<8x128x64xf32, #tpu.memory_space<vmem>> -> memref<1x128x64xf32, #tpu.memory_space<vmem>>
        %dma_wait3A_521 = tpu.memref_squeeze %dma_wait3A_520 : memref<1x128x64xf32, #tpu.memory_space<vmem>> -> memref<128x64xf32, #tpu.memory_space<vmem>>
        tpu.wait_dma2 semaphore(%arg19 : memref<!tpu.dma_semaphore, #tpu.memory_space<semaphore_mem>>) src(%dma_wait3A_521 : memref<128x64xf32, #tpu.memory_space<vmem>>) dst(%dma_wait3A_517 : memref<128x64xf32, #tpu.memory_space<hbm>>)
      } else {
      }
      %add3A_146 = arith.constant 4 : i32
      %add3A_147 = arith.addi %add3A_132, %add3A_146 : i32
      %lt3A = arith.constant 200 : i32
      %lt3A_148 = arith.cmpi slt, %add3A_147, %lt3A : i32
      %convert_element_type3A_149 = arith.extui %lt3A_148 : i1 to i32
      %cond3A_150 = arith.constant 0 : i32
      %cond3A_151 = arith.cmpi ne, %convert_element_type3A_149, %cond3A_150 : i32
      scf.if %cond3A_151 {
        %add3A_501 = arith.constant 4 : i32
        %add3A_502 = arith.addi %add3A_132, %add3A_501 : i32
        %dma_start3A_503 = arith.constant 4 : i32
        %dma_start3A_504 = arith.constant 0 : i32
        %dma_start3A_505 = arith.constant 0 : i32
        %dma_start3A_506 = tpu.memref_slice %arg6[%dma_start3A_503, %dma_start3A_504, %dma_start3A_505] : memref<8x128x64xf32, #tpu.memory_space<vmem>> -> memref<1x128x64xf32, #tpu.memory_space<vmem>>
        %dma_start3A_507 = tpu.memref_squeeze %dma_start3A_506 : memref<1x128x64xf32, #tpu.memory_space<vmem>> -> memref<128x64xf32, #tpu.memory_space<vmem>>
        %dma_start3A_508 = arith.constant 0 : i32
        %dma_start3A_509 = tpu.memref_slice %arg5[%add3A_502, %dma_start3A_508] : memref<200x128xi32, #tpu.memory_space<vmem>> -> memref<1x128xi32, #tpu.memory_space<vmem>>
        %dma_start3A_510 = tpu.memref_squeeze %dma_start3A_509 : memref<1x128xi32, #tpu.memory_space<vmem>> -> memref<128xi32, #tpu.memory_space<vmem>>
        %dma_start3A_511 = arith.constant 0 : i32
        %dma_start3A_512 = arith.constant 0 : i32
        %dma_start3A_513 = tpu.memref_slice %arg3[%dma_start3A_511, %dma_start3A_512] : memref<1003520x64xf32, #tpu.memory_space<hbm>> -> memref<1003520x64xf32, #tpu.memory_space<hbm>>
        tpu.enqueue_indirect_dma source(%dma_start3A_513 : memref<1003520x64xf32, #tpu.memory_space<hbm>>) target(%dma_start3A_507 : memref<128x64xf32, #tpu.memory_space<vmem>>) offsets(%dma_start3A_510 : memref<128xi32, #tpu.memory_space<vmem>>) semaphore(%arg11 : memref<!tpu.dma_semaphore, #tpu.memory_space<semaphore_mem>>)
      } else {
      }
      %mul3A_152 = arith.constant 32 : i32
      %mul3A_153 = arith.muli %add3A_132, %mul3A_152 : i32
      %add3A_154 = arith.addi %mul3A_153, %add3A : i32
      %dma_start3A_155 = arith.constant 0 : i32
      %dma_start3A_156 = arith.constant 0 : i32
      %dma_start3A_157 = arith.constant 0 : i32
      %dma_start3A_158 = tpu.memref_slice %arg6[%dma_start3A_155, %dma_start3A_156, %dma_start3A_157] : memref<8x128x64xf32, #tpu.memory_space<vmem>> -> memref<1x128x64xf32, #tpu.memory_space<vmem>>
      %dma_start3A_159 = tpu.memref_squeeze %dma_start3A_158 : memref<1x128x64xf32, #tpu.memory_space<vmem>> -> memref<128x64xf32, #tpu.memory_space<vmem>>
      %dma_start3A_160 = arith.constant 0 : i32
      %dma_start3A_161 = arith.constant 0 : i32
      %dma_start3A_162 = tpu.memref_slice %arg4[%add3A_154, %dma_start3A_160, %dma_start3A_161] : memref<6400x128x64xf32, #tpu.memory_space<hbm>> -> memref<1x128x64xf32, #tpu.memory_space<hbm>>
      %dma_start3A_163 = tpu.memref_squeeze %dma_start3A_162 : memref<1x128x64xf32, #tpu.memory_space<hbm>> -> memref<128x64xf32, #tpu.memory_space<hbm>>
      %dma_start3A_164 = arith.constant 0 : i32
      %dma_start3A_165 = arith.constant 0 : i32
      %dma_start3A_166 = tpu.memref_slice %arg4[%add3A_154, %dma_start3A_164, %dma_start3A_165] : memref<6400x128x64xf32, #tpu.memory_space<hbm>> -> memref<1x128x64xf32, #tpu.memory_space<hbm>>
      %dma_start3A_167 = tpu.memref_squeeze %dma_start3A_166 : memref<1x128x64xf32, #tpu.memory_space<hbm>> -> memref<128x64xf32, #tpu.memory_space<hbm>>
      %dma_start3A_168 = arith.constant 0 : i32
      %dma_start3A_169 = arith.constant 0 : i32
      %dma_start3A_170 = tpu.memref_slice %arg6[%dma_start3A_155, %dma_start3A_168, %dma_start3A_169] : memref<8x128x64xf32, #tpu.memory_space<vmem>> -> memref<1x128x64xf32, #tpu.memory_space<vmem>>
      %dma_start3A_171 = tpu.memref_squeeze %dma_start3A_170 : memref<1x128x64xf32, #tpu.memory_space<vmem>> -> memref<128x64xf32, #tpu.memory_space<vmem>>
      tpu.enqueue_dma source(%dma_start3A_171 : memref<128x64xf32, #tpu.memory_space<vmem>>) target(%dma_start3A_167 : memref<128x64xf32, #tpu.memory_space<hbm>>) target_semaphore(%arg15 : memref<!tpu.dma_semaphore, #tpu.memory_space<semaphore_mem>>)
      %mul3A_172 = arith.constant 8 : i32
      %mul3A_173 = arith.muli %scan3A_128, %mul3A_172 : i32
      %add3A_174 = arith.constant 1 : i32
      %add3A_175 = arith.addi %mul3A_173, %add3A_174 : i32
      %dma_wait3A_176 = arith.constant 1 : i32
      %dma_wait3A_177 = arith.constant 0 : i32
      %dma_wait3A_178 = arith.constant 0 : i32
      %dma_wait3A_179 = tpu.memref_slice %arg6[%dma_wait3A_176, %dma_wait3A_177, %dma_wait3A_178] : memref<8x128x64xf32, #tpu.memory_space<vmem>> -> memref<1x128x64xf32, #tpu.memory_space<vmem>>
      %dma_wait3A_180 = tpu.memref_squeeze %dma_wait3A_179 : memref<1x128x64xf32, #tpu.memory_space<vmem>> -> memref<128x64xf32, #tpu.memory_space<vmem>>
      %dma_wait3A_181 = arith.constant 0 : i32
      %dma_wait3A_182 = tpu.memref_slice %arg5[%add3A_175, %dma_wait3A_181] : memref<200x128xi32, #tpu.memory_space<vmem>> -> memref<1x128xi32, #tpu.memory_space<vmem>>
      %dma_wait3A_183 = tpu.memref_squeeze %dma_wait3A_182 : memref<1x128xi32, #tpu.memory_space<vmem>> -> memref<128xi32, #tpu.memory_space<vmem>>
      %dma_wait3A_184 = arith.constant 0 : i32
      %dma_wait3A_185 = arith.constant 0 : i32
      %dma_wait3A_186 = tpu.memref_slice %arg3[%dma_wait3A_184, %dma_wait3A_185] : memref<1003520x64xf32, #tpu.memory_space<hbm>> -> memref<1003520x64xf32, #tpu.memory_space<hbm>>
      tpu.wait_indirect_dma semaphore(%arg8 : memref<!tpu.dma_semaphore, #tpu.memory_space<semaphore_mem>>) src(%dma_wait3A_186 : memref<1003520x64xf32, #tpu.memory_space<hbm>>) dst(%dma_wait3A_180 : memref<128x64xf32, #tpu.memory_space<vmem>>)
      %ge3A_187 = arith.constant 4 : i32
      %ge3A_188 = arith.cmpi sge, %add3A_175, %ge3A_187 : i32
      %convert_element_type3A_189 = arith.extui %ge3A_188 : i1 to i32
      %cond3A_190 = arith.constant 0 : i32
      %cond3A_191 = arith.cmpi ne, %convert_element_type3A_189, %cond3A_190 : i32
      scf.if %cond3A_191 {
        %sub3A = arith.constant 4 : i32
        %sub3A_501 = arith.subi %add3A_175, %sub3A : i32
        %mul3A_502 = arith.constant 32 : i32
        %mul3A_503 = arith.muli %sub3A_501, %mul3A_502 : i32
        %add3A_504 = arith.addi %mul3A_503, %add3A : i32
        %dma_wait3A_505 = arith.constant 5 : i32
        %dma_wait3A_506 = arith.constant 0 : i32
        %dma_wait3A_507 = arith.constant 0 : i32
        %dma_wait3A_508 = tpu.memref_slice %arg6[%dma_wait3A_505, %dma_wait3A_506, %dma_wait3A_507] : memref<8x128x64xf32, #tpu.memory_space<vmem>> -> memref<1x128x64xf32, #tpu.memory_space<vmem>>
        %dma_wait3A_509 = tpu.memref_squeeze %dma_wait3A_508 : memref<1x128x64xf32, #tpu.memory_space<vmem>> -> memref<128x64xf32, #tpu.memory_space<vmem>>
        %dma_wait3A_510 = arith.constant 0 : i32
        %dma_wait3A_511 = arith.constant 0 : i32
        %dma_wait3A_512 = tpu.memref_slice %arg4[%add3A_504, %dma_wait3A_510, %dma_wait3A_511] : memref<6400x128x64xf32, #tpu.memory_space<hbm>> -> memref<1x128x64xf32, #tpu.memory_space<hbm>>
        %dma_wait3A_513 = tpu.memref_squeeze %dma_wait3A_512 : memref<1x128x64xf32, #tpu.memory_space<hbm>> -> memref<128x64xf32, #tpu.memory_space<hbm>>
        %dma_wait3A_514 = arith.constant 0 : i32
        %dma_wait3A_515 = arith.constant 0 : i32
        %dma_wait3A_516 = tpu.memref_slice %arg4[%add3A_504, %dma_wait3A_514, %dma_wait3A_515] : memref<6400x128x64xf32, #tpu.memory_space<hbm>> -> memref<1x128x64xf32, #tpu.memory_space<hbm>>
        %dma_wait3A_517 = tpu.memref_squeeze %dma_wait3A_516 : memref<1x128x64xf32, #tpu.memory_space<hbm>> -> memref<128x64xf32, #tpu.memory_space<hbm>>
        %dma_wait3A_518 = arith.constant 0 : i32
        %dma_wait3A_519 = arith.constant 0 : i32
        %dma_wait3A_520 = tpu.memref_slice %arg6[%dma_wait3A_505, %dma_wait3A_518, %dma_wait3A_519] : memref<8x128x64xf32, #tpu.memory_space<vmem>> -> memref<1x128x64xf32, #tpu.memory_space<vmem>>
        %dma_wait3A_521 = tpu.memref_squeeze %dma_wait3A_520 : memref<1x128x64xf32, #tpu.memory_space<vmem>> -> memref<128x64xf32, #tpu.memory_space<vmem>>
        tpu.wait_dma2 semaphore(%arg20 : memref<!tpu.dma_semaphore, #tpu.memory_space<semaphore_mem>>) src(%dma_wait3A_521 : memref<128x64xf32, #tpu.memory_space<vmem>>) dst(%dma_wait3A_517 : memref<128x64xf32, #tpu.memory_space<hbm>>)
      } else {
      }
      %add3A_192 = arith.constant 4 : i32
      %add3A_193 = arith.addi %add3A_175, %add3A_192 : i32
      %lt3A_194 = arith.constant 200 : i32
      %lt3A_195 = arith.cmpi slt, %add3A_193, %lt3A_194 : i32
      %convert_element_type3A_196 = arith.extui %lt3A_195 : i1 to i32
      %cond3A_197 = arith.constant 0 : i32
      %cond3A_198 = arith.cmpi ne, %convert_element_type3A_196, %cond3A_197 : i32
      scf.if %cond3A_198 {
        %add3A_501 = arith.constant 4 : i32
        %add3A_502 = arith.addi %add3A_175, %add3A_501 : i32
        %dma_start3A_503 = arith.constant 5 : i32
        %dma_start3A_504 = arith.constant 0 : i32
        %dma_start3A_505 = arith.constant 0 : i32
        %dma_start3A_506 = tpu.memref_slice %arg6[%dma_start3A_503, %dma_start3A_504, %dma_start3A_505] : memref<8x128x64xf32, #tpu.memory_space<vmem>> -> memref<1x128x64xf32, #tpu.memory_space<vmem>>
        %dma_start3A_507 = tpu.memref_squeeze %dma_start3A_506 : memref<1x128x64xf32, #tpu.memory_space<vmem>> -> memref<128x64xf32, #tpu.memory_space<vmem>>
        %dma_start3A_508 = arith.constant 0 : i32
        %dma_start3A_509 = tpu.memref_slice %arg5[%add3A_502, %dma_start3A_508] : memref<200x128xi32, #tpu.memory_space<vmem>> -> memref<1x128xi32, #tpu.memory_space<vmem>>
        %dma_start3A_510 = tpu.memref_squeeze %dma_start3A_509 : memref<1x128xi32, #tpu.memory_space<vmem>> -> memref<128xi32, #tpu.memory_space<vmem>>
        %dma_start3A_511 = arith.constant 0 : i32
        %dma_start3A_512 = arith.constant 0 : i32
        %dma_start3A_513 = tpu.memref_slice %arg3[%dma_start3A_511, %dma_start3A_512] : memref<1003520x64xf32, #tpu.memory_space<hbm>> -> memref<1003520x64xf32, #tpu.memory_space<hbm>>
        tpu.enqueue_indirect_dma source(%dma_start3A_513 : memref<1003520x64xf32, #tpu.memory_space<hbm>>) target(%dma_start3A_507 : memref<128x64xf32, #tpu.memory_space<vmem>>) offsets(%dma_start3A_510 : memref<128xi32, #tpu.memory_space<vmem>>) semaphore(%arg12 : memref<!tpu.dma_semaphore, #tpu.memory_space<semaphore_mem>>)
      } else {
      }
      %mul3A_199 = arith.constant 32 : i32
      %mul3A_200 = arith.muli %add3A_175, %mul3A_199 : i32
      %add3A_201 = arith.addi %mul3A_200, %add3A : i32
      %dma_start3A_202 = arith.constant 1 : i32
      %dma_start3A_203 = arith.constant 0 : i32
      %dma_start3A_204 = arith.constant 0 : i32
      %dma_start3A_205 = tpu.memref_slice %arg6[%dma_start3A_202, %dma_start3A_203, %dma_start3A_204] : memref<8x128x64xf32, #tpu.memory_space<vmem>> -> memref<1x128x64xf32, #tpu.memory_space<vmem>>
      %dma_start3A_206 = tpu.memref_squeeze %dma_start3A_205 : memref<1x128x64xf32, #tpu.memory_space<vmem>> -> memref<128x64xf32, #tpu.memory_space<vmem>>
      %dma_start3A_207 = arith.constant 0 : i32
      %dma_start3A_208 = arith.constant 0 : i32
      %dma_start3A_209 = tpu.memref_slice %arg4[%add3A_201, %dma_start3A_207, %dma_start3A_208] : memref<6400x128x64xf32, #tpu.memory_space<hbm>> -> memref<1x128x64xf32, #tpu.memory_space<hbm>>
      %dma_start3A_210 = tpu.memref_squeeze %dma_start3A_209 : memref<1x128x64xf32, #tpu.memory_space<hbm>> -> memref<128x64xf32, #tpu.memory_space<hbm>>
      %dma_start3A_211 = arith.constant 0 : i32
      %dma_start3A_212 = arith.constant 0 : i32
      %dma_start3A_213 = tpu.memref_slice %arg4[%add3A_201, %dma_start3A_211, %dma_start3A_212] : memref<6400x128x64xf32, #tpu.memory_space<hbm>> -> memref<1x128x64xf32, #tpu.memory_space<hbm>>
      %dma_start3A_214 = tpu.memref_squeeze %dma_start3A_213 : memref<1x128x64xf32, #tpu.memory_space<hbm>> -> memref<128x64xf32, #tpu.memory_space<hbm>>
      %dma_start3A_215 = arith.constant 0 : i32
      %dma_start3A_216 = arith.constant 0 : i32
      %dma_start3A_217 = tpu.memref_slice %arg6[%dma_start3A_202, %dma_start3A_215, %dma_start3A_216] : memref<8x128x64xf32, #tpu.memory_space<vmem>> -> memref<1x128x64xf32, #tpu.memory_space<vmem>>
      %dma_start3A_218 = tpu.memref_squeeze %dma_start3A_217 : memref<1x128x64xf32, #tpu.memory_space<vmem>> -> memref<128x64xf32, #tpu.memory_space<vmem>>
      tpu.enqueue_dma source(%dma_start3A_218 : memref<128x64xf32, #tpu.memory_space<vmem>>) target(%dma_start3A_214 : memref<128x64xf32, #tpu.memory_space<hbm>>) target_semaphore(%arg16 : memref<!tpu.dma_semaphore, #tpu.memory_space<semaphore_mem>>)
      %mul3A_219 = arith.constant 8 : i32
      %mul3A_220 = arith.muli %scan3A_128, %mul3A_219 : i32
      %add3A_221 = arith.constant 2 : i32
      %add3A_222 = arith.addi %mul3A_220, %add3A_221 : i32
      %dma_wait3A_223 = arith.constant 2 : i32
      %dma_wait3A_224 = arith.constant 0 : i32
      %dma_wait3A_225 = arith.constant 0 : i32
      %dma_wait3A_226 = tpu.memref_slice %arg6[%dma_wait3A_223, %dma_wait3A_224, %dma_wait3A_225] : memref<8x128x64xf32, #tpu.memory_space<vmem>> -> memref<1x128x64xf32, #tpu.memory_space<vmem>>
      %dma_wait3A_227 = tpu.memref_squeeze %dma_wait3A_226 : memref<1x128x64xf32, #tpu.memory_space<vmem>> -> memref<128x64xf32, #tpu.memory_space<vmem>>
      %dma_wait3A_228 = arith.constant 0 : i32
      %dma_wait3A_229 = tpu.memref_slice %arg5[%add3A_222, %dma_wait3A_228] : memref<200x128xi32, #tpu.memory_space<vmem>> -> memref<1x128xi32, #tpu.memory_space<vmem>>
      %dma_wait3A_230 = tpu.memref_squeeze %dma_wait3A_229 : memref<1x128xi32, #tpu.memory_space<vmem>> -> memref<128xi32, #tpu.memory_space<vmem>>
      %dma_wait3A_231 = arith.constant 0 : i32
      %dma_wait3A_232 = arith.constant 0 : i32
      %dma_wait3A_233 = tpu.memref_slice %arg3[%dma_wait3A_231, %dma_wait3A_232] : memref<1003520x64xf32, #tpu.memory_space<hbm>> -> memref<1003520x64xf32, #tpu.memory_space<hbm>>
      tpu.wait_indirect_dma semaphore(%arg9 : memref<!tpu.dma_semaphore, #tpu.memory_space<semaphore_mem>>) src(%dma_wait3A_233 : memref<1003520x64xf32, #tpu.memory_space<hbm>>) dst(%dma_wait3A_227 : memref<128x64xf32, #tpu.memory_space<vmem>>)
      %ge3A_234 = arith.constant 4 : i32
      %ge3A_235 = arith.cmpi sge, %add3A_222, %ge3A_234 : i32
      %convert_element_type3A_236 = arith.extui %ge3A_235 : i1 to i32
      %cond3A_237 = arith.constant 0 : i32
      %cond3A_238 = arith.cmpi ne, %convert_element_type3A_236, %cond3A_237 : i32
      scf.if %cond3A_238 {
        %sub3A = arith.constant 4 : i32
        %sub3A_501 = arith.subi %add3A_222, %sub3A : i32
        %mul3A_502 = arith.constant 32 : i32
        %mul3A_503 = arith.muli %sub3A_501, %mul3A_502 : i32
        %add3A_504 = arith.addi %mul3A_503, %add3A : i32
        %dma_wait3A_505 = arith.constant 6 : i32
        %dma_wait3A_506 = arith.constant 0 : i32
        %dma_wait3A_507 = arith.constant 0 : i32
        %dma_wait3A_508 = tpu.memref_slice %arg6[%dma_wait3A_505, %dma_wait3A_506, %dma_wait3A_507] : memref<8x128x64xf32, #tpu.memory_space<vmem>> -> memref<1x128x64xf32, #tpu.memory_space<vmem>>
        %dma_wait3A_509 = tpu.memref_squeeze %dma_wait3A_508 : memref<1x128x64xf32, #tpu.memory_space<vmem>> -> memref<128x64xf32, #tpu.memory_space<vmem>>
        %dma_wait3A_510 = arith.constant 0 : i32
        %dma_wait3A_511 = arith.constant 0 : i32
        %dma_wait3A_512 = tpu.memref_slice %arg4[%add3A_504, %dma_wait3A_510, %dma_wait3A_511] : memref<6400x128x64xf32, #tpu.memory_space<hbm>> -> memref<1x128x64xf32, #tpu.memory_space<hbm>>
        %dma_wait3A_513 = tpu.memref_squeeze %dma_wait3A_512 : memref<1x128x64xf32, #tpu.memory_space<hbm>> -> memref<128x64xf32, #tpu.memory_space<hbm>>
        %dma_wait3A_514 = arith.constant 0 : i32
        %dma_wait3A_515 = arith.constant 0 : i32
        %dma_wait3A_516 = tpu.memref_slice %arg4[%add3A_504, %dma_wait3A_514, %dma_wait3A_515] : memref<6400x128x64xf32, #tpu.memory_space<hbm>> -> memref<1x128x64xf32, #tpu.memory_space<hbm>>
        %dma_wait3A_517 = tpu.memref_squeeze %dma_wait3A_516 : memref<1x128x64xf32, #tpu.memory_space<hbm>> -> memref<128x64xf32, #tpu.memory_space<hbm>>
        %dma_wait3A_518 = arith.constant 0 : i32
        %dma_wait3A_519 = arith.constant 0 : i32
        %dma_wait3A_520 = tpu.memref_slice %arg6[%dma_wait3A_505, %dma_wait3A_518, %dma_wait3A_519] : memref<8x128x64xf32, #tpu.memory_space<vmem>> -> memref<1x128x64xf32, #tpu.memory_space<vmem>>
        %dma_wait3A_521 = tpu.memref_squeeze %dma_wait3A_520 : memref<1x128x64xf32, #tpu.memory_space<vmem>> -> memref<128x64xf32, #tpu.memory_space<vmem>>
        tpu.wait_dma2 semaphore(%arg21 : memref<!tpu.dma_semaphore, #tpu.memory_space<semaphore_mem>>) src(%dma_wait3A_521 : memref<128x64xf32, #tpu.memory_space<vmem>>) dst(%dma_wait3A_517 : memref<128x64xf32, #tpu.memory_space<hbm>>)
      } else {
      }
      %add3A_239 = arith.constant 4 : i32
      %add3A_240 = arith.addi %add3A_222, %add3A_239 : i32
      %lt3A_241 = arith.constant 200 : i32
      %lt3A_242 = arith.cmpi slt, %add3A_240, %lt3A_241 : i32
      %convert_element_type3A_243 = arith.extui %lt3A_242 : i1 to i32
      %cond3A_244 = arith.constant 0 : i32
      %cond3A_245 = arith.cmpi ne, %convert_element_type3A_243, %cond3A_244 : i32
      scf.if %cond3A_245 {
        %add3A_501 = arith.constant 4 : i32
        %add3A_502 = arith.addi %add3A_222, %add3A_501 : i32
        %dma_start3A_503 = arith.constant 6 : i32
        %dma_start3A_504 = arith.constant 0 : i32
        %dma_start3A_505 = arith.constant 0 : i32
        %dma_start3A_506 = tpu.memref_slice %arg6[%dma_start3A_503, %dma_start3A_504, %dma_start3A_505] : memref<8x128x64xf32, #tpu.memory_space<vmem>> -> memref<1x128x64xf32, #tpu.memory_space<vmem>>
        %dma_start3A_507 = tpu.memref_squeeze %dma_start3A_506 : memref<1x128x64xf32, #tpu.memory_space<vmem>> -> memref<128x64xf32, #tpu.memory_space<vmem>>
        %dma_start3A_508 = arith.constant 0 : i32
        %dma_start3A_509 = tpu.memref_slice %arg5[%add3A_502, %dma_start3A_508] : memref<200x128xi32, #tpu.memory_space<vmem>> -> memref<1x128xi32, #tpu.memory_space<vmem>>
        %dma_start3A_510 = tpu.memref_squeeze %dma_start3A_509 : memref<1x128xi32, #tpu.memory_space<vmem>> -> memref<128xi32, #tpu.memory_space<vmem>>
        %dma_start3A_511 = arith.constant 0 : i32
        %dma_start3A_512 = arith.constant 0 : i32
        %dma_start3A_513 = tpu.memref_slice %arg3[%dma_start3A_511, %dma_start3A_512] : memref<1003520x64xf32, #tpu.memory_space<hbm>> -> memref<1003520x64xf32, #tpu.memory_space<hbm>>
        tpu.enqueue_indirect_dma source(%dma_start3A_513 : memref<1003520x64xf32, #tpu.memory_space<hbm>>) target(%dma_start3A_507 : memref<128x64xf32, #tpu.memory_space<vmem>>) offsets(%dma_start3A_510 : memref<128xi32, #tpu.memory_space<vmem>>) semaphore(%arg13 : memref<!tpu.dma_semaphore, #tpu.memory_space<semaphore_mem>>)
      } else {
      }
      %mul3A_246 = arith.constant 32 : i32
      %mul3A_247 = arith.muli %add3A_222, %mul3A_246 : i32
      %add3A_248 = arith.addi %mul3A_247, %add3A : i32
      %dma_start3A_249 = arith.constant 2 : i32
      %dma_start3A_250 = arith.constant 0 : i32
      %dma_start3A_251 = arith.constant 0 : i32
      %dma_start3A_252 = tpu.memref_slice %arg6[%dma_start3A_249, %dma_start3A_250, %dma_start3A_251] : memref<8x128x64xf32, #tpu.memory_space<vmem>> -> memref<1x128x64xf32, #tpu.memory_space<vmem>>
      %dma_start3A_253 = tpu.memref_squeeze %dma_start3A_252 : memref<1x128x64xf32, #tpu.memory_space<vmem>> -> memref<128x64xf32, #tpu.memory_space<vmem>>
      %dma_start3A_254 = arith.constant 0 : i32
      %dma_start3A_255 = arith.constant 0 : i32
      %dma_start3A_256 = tpu.memref_slice %arg4[%add3A_248, %dma_start3A_254, %dma_start3A_255] : memref<6400x128x64xf32, #tpu.memory_space<hbm>> -> memref<1x128x64xf32, #tpu.memory_space<hbm>>
      %dma_start3A_257 = tpu.memref_squeeze %dma_start3A_256 : memref<1x128x64xf32, #tpu.memory_space<hbm>> -> memref<128x64xf32, #tpu.memory_space<hbm>>
      %dma_start3A_258 = arith.constant 0 : i32
      %dma_start3A_259 = arith.constant 0 : i32
      %dma_start3A_260 = tpu.memref_slice %arg4[%add3A_248, %dma_start3A_258, %dma_start3A_259] : memref<6400x128x64xf32, #tpu.memory_space<hbm>> -> memref<1x128x64xf32, #tpu.memory_space<hbm>>
      %dma_start3A_261 = tpu.memref_squeeze %dma_start3A_260 : memref<1x128x64xf32, #tpu.memory_space<hbm>> -> memref<128x64xf32, #tpu.memory_space<hbm>>
      %dma_start3A_262 = arith.constant 0 : i32
      %dma_start3A_263 = arith.constant 0 : i32
      %dma_start3A_264 = tpu.memref_slice %arg6[%dma_start3A_249, %dma_start3A_262, %dma_start3A_263] : memref<8x128x64xf32, #tpu.memory_space<vmem>> -> memref<1x128x64xf32, #tpu.memory_space<vmem>>
      %dma_start3A_265 = tpu.memref_squeeze %dma_start3A_264 : memref<1x128x64xf32, #tpu.memory_space<vmem>> -> memref<128x64xf32, #tpu.memory_space<vmem>>
      tpu.enqueue_dma source(%dma_start3A_265 : memref<128x64xf32, #tpu.memory_space<vmem>>) target(%dma_start3A_261 : memref<128x64xf32, #tpu.memory_space<hbm>>) target_semaphore(%arg17 : memref<!tpu.dma_semaphore, #tpu.memory_space<semaphore_mem>>)
      %mul3A_266 = arith.constant 8 : i32
      %mul3A_267 = arith.muli %scan3A_128, %mul3A_266 : i32
      %add3A_268 = arith.constant 3 : i32
      %add3A_269 = arith.addi %mul3A_267, %add3A_268 : i32
      %dma_wait3A_270 = arith.constant 3 : i32
      %dma_wait3A_271 = arith.constant 0 : i32
      %dma_wait3A_272 = arith.constant 0 : i32
      %dma_wait3A_273 = tpu.memref_slice %arg6[%dma_wait3A_270, %dma_wait3A_271, %dma_wait3A_272] : memref<8x128x64xf32, #tpu.memory_space<vmem>> -> memref<1x128x64xf32, #tpu.memory_space<vmem>>
      %dma_wait3A_274 = tpu.memref_squeeze %dma_wait3A_273 : memref<1x128x64xf32, #tpu.memory_space<vmem>> -> memref<128x64xf32, #tpu.memory_space<vmem>>
      %dma_wait3A_275 = arith.constant 0 : i32
      %dma_wait3A_276 = tpu.memref_slice %arg5[%add3A_269, %dma_wait3A_275] : memref<200x128xi32, #tpu.memory_space<vmem>> -> memref<1x128xi32, #tpu.memory_space<vmem>>
      %dma_wait3A_277 = tpu.memref_squeeze %dma_wait3A_276 : memref<1x128xi32, #tpu.memory_space<vmem>> -> memref<128xi32, #tpu.memory_space<vmem>>
      %dma_wait3A_278 = arith.constant 0 : i32
      %dma_wait3A_279 = arith.constant 0 : i32
      %dma_wait3A_280 = tpu.memref_slice %arg3[%dma_wait3A_278, %dma_wait3A_279] : memref<1003520x64xf32, #tpu.memory_space<hbm>> -> memref<1003520x64xf32, #tpu.memory_space<hbm>>
      tpu.wait_indirect_dma semaphore(%arg10 : memref<!tpu.dma_semaphore, #tpu.memory_space<semaphore_mem>>) src(%dma_wait3A_280 : memref<1003520x64xf32, #tpu.memory_space<hbm>>) dst(%dma_wait3A_274 : memref<128x64xf32, #tpu.memory_space<vmem>>)
      %ge3A_281 = arith.constant 4 : i32
      %ge3A_282 = arith.cmpi sge, %add3A_269, %ge3A_281 : i32
      %convert_element_type3A_283 = arith.extui %ge3A_282 : i1 to i32
      %cond3A_284 = arith.constant 0 : i32
      %cond3A_285 = arith.cmpi ne, %convert_element_type3A_283, %cond3A_284 : i32
      scf.if %cond3A_285 {
        %sub3A = arith.constant 4 : i32
        %sub3A_501 = arith.subi %add3A_269, %sub3A : i32
        %mul3A_502 = arith.constant 32 : i32
        %mul3A_503 = arith.muli %sub3A_501, %mul3A_502 : i32
        %add3A_504 = arith.addi %mul3A_503, %add3A : i32
        %dma_wait3A_505 = arith.constant 7 : i32
        %dma_wait3A_506 = arith.constant 0 : i32
        %dma_wait3A_507 = arith.constant 0 : i32
        %dma_wait3A_508 = tpu.memref_slice %arg6[%dma_wait3A_505, %dma_wait3A_506, %dma_wait3A_507] : memref<8x128x64xf32, #tpu.memory_space<vmem>> -> memref<1x128x64xf32, #tpu.memory_space<vmem>>
        %dma_wait3A_509 = tpu.memref_squeeze %dma_wait3A_508 : memref<1x128x64xf32, #tpu.memory_space<vmem>> -> memref<128x64xf32, #tpu.memory_space<vmem>>
        %dma_wait3A_510 = arith.constant 0 : i32
        %dma_wait3A_511 = arith.constant 0 : i32
        %dma_wait3A_512 = tpu.memref_slice %arg4[%add3A_504, %dma_wait3A_510, %dma_wait3A_511] : memref<6400x128x64xf32, #tpu.memory_space<hbm>> -> memref<1x128x64xf32, #tpu.memory_space<hbm>>
        %dma_wait3A_513 = tpu.memref_squeeze %dma_wait3A_512 : memref<1x128x64xf32, #tpu.memory_space<hbm>> -> memref<128x64xf32, #tpu.memory_space<hbm>>
        %dma_wait3A_514 = arith.constant 0 : i32
        %dma_wait3A_515 = arith.constant 0 : i32
        %dma_wait3A_516 = tpu.memref_slice %arg4[%add3A_504, %dma_wait3A_514, %dma_wait3A_515] : memref<6400x128x64xf32, #tpu.memory_space<hbm>> -> memref<1x128x64xf32, #tpu.memory_space<hbm>>
        %dma_wait3A_517 = tpu.memref_squeeze %dma_wait3A_516 : memref<1x128x64xf32, #tpu.memory_space<hbm>> -> memref<128x64xf32, #tpu.memory_space<hbm>>
        %dma_wait3A_518 = arith.constant 0 : i32
        %dma_wait3A_519 = arith.constant 0 : i32
        %dma_wait3A_520 = tpu.memref_slice %arg6[%dma_wait3A_505, %dma_wait3A_518, %dma_wait3A_519] : memref<8x128x64xf32, #tpu.memory_space<vmem>> -> memref<1x128x64xf32, #tpu.memory_space<vmem>>
        %dma_wait3A_521 = tpu.memref_squeeze %dma_wait3A_520 : memref<1x128x64xf32, #tpu.memory_space<vmem>> -> memref<128x64xf32, #tpu.memory_space<vmem>>
        tpu.wait_dma2 semaphore(%arg22 : memref<!tpu.dma_semaphore, #tpu.memory_space<semaphore_mem>>) src(%dma_wait3A_521 : memref<128x64xf32, #tpu.memory_space<vmem>>) dst(%dma_wait3A_517 : memref<128x64xf32, #tpu.memory_space<hbm>>)
      } else {
      }
      %add3A_286 = arith.constant 4 : i32
      %add3A_287 = arith.addi %add3A_269, %add3A_286 : i32
      %lt3A_288 = arith.constant 200 : i32
      %lt3A_289 = arith.cmpi slt, %add3A_287, %lt3A_288 : i32
      %convert_element_type3A_290 = arith.extui %lt3A_289 : i1 to i32
      %cond3A_291 = arith.constant 0 : i32
      %cond3A_292 = arith.cmpi ne, %convert_element_type3A_290, %cond3A_291 : i32
      scf.if %cond3A_292 {
        %add3A_501 = arith.constant 4 : i32
        %add3A_502 = arith.addi %add3A_269, %add3A_501 : i32
        %dma_start3A_503 = arith.constant 7 : i32
        %dma_start3A_504 = arith.constant 0 : i32
        %dma_start3A_505 = arith.constant 0 : i32
        %dma_start3A_506 = tpu.memref_slice %arg6[%dma_start3A_503, %dma_start3A_504, %dma_start3A_505] : memref<8x128x64xf32, #tpu.memory_space<vmem>> -> memref<1x128x64xf32, #tpu.memory_space<vmem>>
        %dma_start3A_507 = tpu.memref_squeeze %dma_start3A_506 : memref<1x128x64xf32, #tpu.memory_space<vmem>> -> memref<128x64xf32, #tpu.memory_space<vmem>>
        %dma_start3A_508 = arith.constant 0 : i32
        %dma_start3A_509 = tpu.memref_slice %arg5[%add3A_502, %dma_start3A_508] : memref<200x128xi32, #tpu.memory_space<vmem>> -> memref<1x128xi32, #tpu.memory_space<vmem>>
        %dma_start3A_510 = tpu.memref_squeeze %dma_start3A_509 : memref<1x128xi32, #tpu.memory_space<vmem>> -> memref<128xi32, #tpu.memory_space<vmem>>
        %dma_start3A_511 = arith.constant 0 : i32
        %dma_start3A_512 = arith.constant 0 : i32
        %dma_start3A_513 = tpu.memref_slice %arg3[%dma_start3A_511, %dma_start3A_512] : memref<1003520x64xf32, #tpu.memory_space<hbm>> -> memref<1003520x64xf32, #tpu.memory_space<hbm>>
        tpu.enqueue_indirect_dma source(%dma_start3A_513 : memref<1003520x64xf32, #tpu.memory_space<hbm>>) target(%dma_start3A_507 : memref<128x64xf32, #tpu.memory_space<vmem>>) offsets(%dma_start3A_510 : memref<128xi32, #tpu.memory_space<vmem>>) semaphore(%arg14 : memref<!tpu.dma_semaphore, #tpu.memory_space<semaphore_mem>>)
      } else {
      }
      %mul3A_293 = arith.constant 32 : i32
      %mul3A_294 = arith.muli %add3A_269, %mul3A_293 : i32
      %add3A_295 = arith.addi %mul3A_294, %add3A : i32
      %dma_start3A_296 = arith.constant 3 : i32
      %dma_start3A_297 = arith.constant 0 : i32
      %dma_start3A_298 = arith.constant 0 : i32
      %dma_start3A_299 = tpu.memref_slice %arg6[%dma_start3A_296, %dma_start3A_297, %dma_start3A_298] : memref<8x128x64xf32, #tpu.memory_space<vmem>> -> memref<1x128x64xf32, #tpu.memory_space<vmem>>
      %dma_start3A_300 = tpu.memref_squeeze %dma_start3A_299 : memref<1x128x64xf32, #tpu.memory_space<vmem>> -> memref<128x64xf32, #tpu.memory_space<vmem>>
      %dma_start3A_301 = arith.constant 0 : i32
      %dma_start3A_302 = arith.constant 0 : i32
      %dma_start3A_303 = tpu.memref_slice %arg4[%add3A_295, %dma_start3A_301, %dma_start3A_302] : memref<6400x128x64xf32, #tpu.memory_space<hbm>> -> memref<1x128x64xf32, #tpu.memory_space<hbm>>
      %dma_start3A_304 = tpu.memref_squeeze %dma_start3A_303 : memref<1x128x64xf32, #tpu.memory_space<hbm>> -> memref<128x64xf32, #tpu.memory_space<hbm>>
      %dma_start3A_305 = arith.constant 0 : i32
      %dma_start3A_306 = arith.constant 0 : i32
      %dma_start3A_307 = tpu.memref_slice %arg4[%add3A_295, %dma_start3A_305, %dma_start3A_306] : memref<6400x128x64xf32, #tpu.memory_space<hbm>> -> memref<1x128x64xf32, #tpu.memory_space<hbm>>
      %dma_start3A_308 = tpu.memref_squeeze %dma_start3A_307 : memref<1x128x64xf32, #tpu.memory_space<hbm>> -> memref<128x64xf32, #tpu.memory_space<hbm>>
      %dma_start3A_309 = arith.constant 0 : i32
      %dma_start3A_310 = arith.constant 0 : i32
      %dma_start3A_311 = tpu.memref_slice %arg6[%dma_start3A_296, %dma_start3A_309, %dma_start3A_310] : memref<8x128x64xf32, #tpu.memory_space<vmem>> -> memref<1x128x64xf32, #tpu.memory_space<vmem>>
      %dma_start3A_312 = tpu.memref_squeeze %dma_start3A_311 : memref<1x128x64xf32, #tpu.memory_space<vmem>> -> memref<128x64xf32, #tpu.memory_space<vmem>>
      tpu.enqueue_dma source(%dma_start3A_312 : memref<128x64xf32, #tpu.memory_space<vmem>>) target(%dma_start3A_308 : memref<128x64xf32, #tpu.memory_space<hbm>>) target_semaphore(%arg18 : memref<!tpu.dma_semaphore, #tpu.memory_space<semaphore_mem>>)
      %mul3A_313 = arith.constant 8 : i32
      %mul3A_314 = arith.muli %scan3A_128, %mul3A_313 : i32
      %add3A_315 = arith.constant 4 : i32
      %add3A_316 = arith.addi %mul3A_314, %add3A_315 : i32
      %dma_wait3A_317 = arith.constant 4 : i32
      %dma_wait3A_318 = arith.constant 0 : i32
      %dma_wait3A_319 = arith.constant 0 : i32
      %dma_wait3A_320 = tpu.memref_slice %arg6[%dma_wait3A_317, %dma_wait3A_318, %dma_wait3A_319] : memref<8x128x64xf32, #tpu.memory_space<vmem>> -> memref<1x128x64xf32, #tpu.memory_space<vmem>>
      %dma_wait3A_321 = tpu.memref_squeeze %dma_wait3A_320 : memref<1x128x64xf32, #tpu.memory_space<vmem>> -> memref<128x64xf32, #tpu.memory_space<vmem>>
      %dma_wait3A_322 = arith.constant 0 : i32
      %dma_wait3A_323 = tpu.memref_slice %arg5[%add3A_316, %dma_wait3A_322] : memref<200x128xi32, #tpu.memory_space<vmem>> -> memref<1x128xi32, #tpu.memory_space<vmem>>
      %dma_wait3A_324 = tpu.memref_squeeze %dma_wait3A_323 : memref<1x128xi32, #tpu.memory_space<vmem>> -> memref<128xi32, #tpu.memory_space<vmem>>
      %dma_wait3A_325 = arith.constant 0 : i32
      %dma_wait3A_326 = arith.constant 0 : i32
      %dma_wait3A_327 = tpu.memref_slice %arg3[%dma_wait3A_325, %dma_wait3A_326] : memref<1003520x64xf32, #tpu.memory_space<hbm>> -> memref<1003520x64xf32, #tpu.memory_space<hbm>>
      tpu.wait_indirect_dma semaphore(%arg11 : memref<!tpu.dma_semaphore, #tpu.memory_space<semaphore_mem>>) src(%dma_wait3A_327 : memref<1003520x64xf32, #tpu.memory_space<hbm>>) dst(%dma_wait3A_321 : memref<128x64xf32, #tpu.memory_space<vmem>>)
      %ge3A_328 = arith.constant 4 : i32
      %ge3A_329 = arith.cmpi sge, %add3A_316, %ge3A_328 : i32
      %convert_element_type3A_330 = arith.extui %ge3A_329 : i1 to i32
      %cond3A_331 = arith.constant 0 : i32
      %cond3A_332 = arith.cmpi ne, %convert_element_type3A_330, %cond3A_331 : i32
      scf.if %cond3A_332 {
        %sub3A = arith.constant 4 : i32
        %sub3A_501 = arith.subi %add3A_316, %sub3A : i32
        %mul3A_502 = arith.constant 32 : i32
        %mul3A_503 = arith.muli %sub3A_501, %mul3A_502 : i32
        %add3A_504 = arith.addi %mul3A_503, %add3A : i32
        %dma_wait3A_505 = arith.constant 0 : i32
        %dma_wait3A_506 = arith.constant 0 : i32
        %dma_wait3A_507 = arith.constant 0 : i32
        %dma_wait3A_508 = tpu.memref_slice %arg6[%dma_wait3A_505, %dma_wait3A_506, %dma_wait3A_507] : memref<8x128x64xf32, #tpu.memory_space<vmem>> -> memref<1x128x64xf32, #tpu.memory_space<vmem>>
        %dma_wait3A_509 = tpu.memref_squeeze %dma_wait3A_508 : memref<1x128x64xf32, #tpu.memory_space<vmem>> -> memref<128x64xf32, #tpu.memory_space<vmem>>
        %dma_wait3A_510 = arith.constant 0 : i32
        %dma_wait3A_511 = arith.constant 0 : i32
        %dma_wait3A_512 = tpu.memref_slice %arg4[%add3A_504, %dma_wait3A_510, %dma_wait3A_511] : memref<6400x128x64xf32, #tpu.memory_space<hbm>> -> memref<1x128x64xf32, #tpu.memory_space<hbm>>
        %dma_wait3A_513 = tpu.memref_squeeze %dma_wait3A_512 : memref<1x128x64xf32, #tpu.memory_space<hbm>> -> memref<128x64xf32, #tpu.memory_space<hbm>>
        %dma_wait3A_514 = arith.constant 0 : i32
        %dma_wait3A_515 = arith.constant 0 : i32
        %dma_wait3A_516 = tpu.memref_slice %arg4[%add3A_504, %dma_wait3A_514, %dma_wait3A_515] : memref<6400x128x64xf32, #tpu.memory_space<hbm>> -> memref<1x128x64xf32, #tpu.memory_space<hbm>>
        %dma_wait3A_517 = tpu.memref_squeeze %dma_wait3A_516 : memref<1x128x64xf32, #tpu.memory_space<hbm>> -> memref<128x64xf32, #tpu.memory_space<hbm>>
        %dma_wait3A_518 = arith.constant 0 : i32
        %dma_wait3A_519 = arith.constant 0 : i32
        %dma_wait3A_520 = tpu.memref_slice %arg6[%dma_wait3A_505, %dma_wait3A_518, %dma_wait3A_519] : memref<8x128x64xf32, #tpu.memory_space<vmem>> -> memref<1x128x64xf32, #tpu.memory_space<vmem>>
        %dma_wait3A_521 = tpu.memref_squeeze %dma_wait3A_520 : memref<1x128x64xf32, #tpu.memory_space<vmem>> -> memref<128x64xf32, #tpu.memory_space<vmem>>
        tpu.wait_dma2 semaphore(%arg15 : memref<!tpu.dma_semaphore, #tpu.memory_space<semaphore_mem>>) src(%dma_wait3A_521 : memref<128x64xf32, #tpu.memory_space<vmem>>) dst(%dma_wait3A_517 : memref<128x64xf32, #tpu.memory_space<hbm>>)
      } else {
      }
      %add3A_333 = arith.constant 4 : i32
      %add3A_334 = arith.addi %add3A_316, %add3A_333 : i32
      %lt3A_335 = arith.constant 200 : i32
      %lt3A_336 = arith.cmpi slt, %add3A_334, %lt3A_335 : i32
      %convert_element_type3A_337 = arith.extui %lt3A_336 : i1 to i32
      %cond3A_338 = arith.constant 0 : i32
      %cond3A_339 = arith.cmpi ne, %convert_element_type3A_337, %cond3A_338 : i32
      scf.if %cond3A_339 {
        %add3A_501 = arith.constant 4 : i32
        %add3A_502 = arith.addi %add3A_316, %add3A_501 : i32
        %dma_start3A_503 = arith.constant 0 : i32
        %dma_start3A_504 = arith.constant 0 : i32
        %dma_start3A_505 = arith.constant 0 : i32
        %dma_start3A_506 = tpu.memref_slice %arg6[%dma_start3A_503, %dma_start3A_504, %dma_start3A_505] : memref<8x128x64xf32, #tpu.memory_space<vmem>> -> memref<1x128x64xf32, #tpu.memory_space<vmem>>
        %dma_start3A_507 = tpu.memref_squeeze %dma_start3A_506 : memref<1x128x64xf32, #tpu.memory_space<vmem>> -> memref<128x64xf32, #tpu.memory_space<vmem>>
        %dma_start3A_508 = arith.constant 0 : i32
        %dma_start3A_509 = tpu.memref_slice %arg5[%add3A_502, %dma_start3A_508] : memref<200x128xi32, #tpu.memory_space<vmem>> -> memref<1x128xi32, #tpu.memory_space<vmem>>
        %dma_start3A_510 = tpu.memref_squeeze %dma_start3A_509 : memref<1x128xi32, #tpu.memory_space<vmem>> -> memref<128xi32, #tpu.memory_space<vmem>>
        %dma_start3A_511 = arith.constant 0 : i32
        %dma_start3A_512 = arith.constant 0 : i32
        %dma_start3A_513 = tpu.memref_slice %arg3[%dma_start3A_511, %dma_start3A_512] : memref<1003520x64xf32, #tpu.memory_space<hbm>> -> memref<1003520x64xf32, #tpu.memory_space<hbm>>
        tpu.enqueue_indirect_dma source(%dma_start3A_513 : memref<1003520x64xf32, #tpu.memory_space<hbm>>) target(%dma_start3A_507 : memref<128x64xf32, #tpu.memory_space<vmem>>) offsets(%dma_start3A_510 : memref<128xi32, #tpu.memory_space<vmem>>) semaphore(%arg7 : memref<!tpu.dma_semaphore, #tpu.memory_space<semaphore_mem>>)
      } else {
      }
      %mul3A_340 = arith.constant 32 : i32
      %mul3A_341 = arith.muli %add3A_316, %mul3A_340 : i32
      %add3A_342 = arith.addi %mul3A_341, %add3A : i32
      %dma_start3A_343 = arith.constant 4 : i32
      %dma_start3A_344 = arith.constant 0 : i32
      %dma_start3A_345 = arith.constant 0 : i32
      %dma_start3A_346 = tpu.memref_slice %arg6[%dma_start3A_343, %dma_start3A_344, %dma_start3A_345] : memref<8x128x64xf32, #tpu.memory_space<vmem>> -> memref<1x128x64xf32, #tpu.memory_space<vmem>>
      %dma_start3A_347 = tpu.memref_squeeze %dma_start3A_346 : memref<1x128x64xf32, #tpu.memory_space<vmem>> -> memref<128x64xf32, #tpu.memory_space<vmem>>
      %dma_start3A_348 = arith.constant 0 : i32
      %dma_start3A_349 = arith.constant 0 : i32
      %dma_start3A_350 = tpu.memref_slice %arg4[%add3A_342, %dma_start3A_348, %dma_start3A_349] : memref<6400x128x64xf32, #tpu.memory_space<hbm>> -> memref<1x128x64xf32, #tpu.memory_space<hbm>>
      %dma_start3A_351 = tpu.memref_squeeze %dma_start3A_350 : memref<1x128x64xf32, #tpu.memory_space<hbm>> -> memref<128x64xf32, #tpu.memory_space<hbm>>
      %dma_start3A_352 = arith.constant 0 : i32
      %dma_start3A_353 = arith.constant 0 : i32
      %dma_start3A_354 = tpu.memref_slice %arg4[%add3A_342, %dma_start3A_352, %dma_start3A_353] : memref<6400x128x64xf32, #tpu.memory_space<hbm>> -> memref<1x128x64xf32, #tpu.memory_space<hbm>>
      %dma_start3A_355 = tpu.memref_squeeze %dma_start3A_354 : memref<1x128x64xf32, #tpu.memory_space<hbm>> -> memref<128x64xf32, #tpu.memory_space<hbm>>
      %dma_start3A_356 = arith.constant 0 : i32
      %dma_start3A_357 = arith.constant 0 : i32
      %dma_start3A_358 = tpu.memref_slice %arg6[%dma_start3A_343, %dma_start3A_356, %dma_start3A_357] : memref<8x128x64xf32, #tpu.memory_space<vmem>> -> memref<1x128x64xf32, #tpu.memory_space<vmem>>
      %dma_start3A_359 = tpu.memref_squeeze %dma_start3A_358 : memref<1x128x64xf32, #tpu.memory_space<vmem>> -> memref<128x64xf32, #tpu.memory_space<vmem>>
      tpu.enqueue_dma source(%dma_start3A_359 : memref<128x64xf32, #tpu.memory_space<vmem>>) target(%dma_start3A_355 : memref<128x64xf32, #tpu.memory_space<hbm>>) target_semaphore(%arg19 : memref<!tpu.dma_semaphore, #tpu.memory_space<semaphore_mem>>)
      %mul3A_360 = arith.constant 8 : i32
      %mul3A_361 = arith.muli %scan3A_128, %mul3A_360 : i32
      %add3A_362 = arith.constant 5 : i32
      %add3A_363 = arith.addi %mul3A_361, %add3A_362 : i32
      %dma_wait3A_364 = arith.constant 5 : i32
      %dma_wait3A_365 = arith.constant 0 : i32
      %dma_wait3A_366 = arith.constant 0 : i32
      %dma_wait3A_367 = tpu.memref_slice %arg6[%dma_wait3A_364, %dma_wait3A_365, %dma_wait3A_366] : memref<8x128x64xf32, #tpu.memory_space<vmem>> -> memref<1x128x64xf32, #tpu.memory_space<vmem>>
      %dma_wait3A_368 = tpu.memref_squeeze %dma_wait3A_367 : memref<1x128x64xf32, #tpu.memory_space<vmem>> -> memref<128x64xf32, #tpu.memory_space<vmem>>
      %dma_wait3A_369 = arith.constant 0 : i32
      %dma_wait3A_370 = tpu.memref_slice %arg5[%add3A_363, %dma_wait3A_369] : memref<200x128xi32, #tpu.memory_space<vmem>> -> memref<1x128xi32, #tpu.memory_space<vmem>>
      %dma_wait3A_371 = tpu.memref_squeeze %dma_wait3A_370 : memref<1x128xi32, #tpu.memory_space<vmem>> -> memref<128xi32, #tpu.memory_space<vmem>>
      %dma_wait3A_372 = arith.constant 0 : i32
      %dma_wait3A_373 = arith.constant 0 : i32
      %dma_wait3A_374 = tpu.memref_slice %arg3[%dma_wait3A_372, %dma_wait3A_373] : memref<1003520x64xf32, #tpu.memory_space<hbm>> -> memref<1003520x64xf32, #tpu.memory_space<hbm>>
      tpu.wait_indirect_dma semaphore(%arg12 : memref<!tpu.dma_semaphore, #tpu.memory_space<semaphore_mem>>) src(%dma_wait3A_374 : memref<1003520x64xf32, #tpu.memory_space<hbm>>) dst(%dma_wait3A_368 : memref<128x64xf32, #tpu.memory_space<vmem>>)
      %ge3A_375 = arith.constant 4 : i32
      %ge3A_376 = arith.cmpi sge, %add3A_363, %ge3A_375 : i32
      %convert_element_type3A_377 = arith.extui %ge3A_376 : i1 to i32
      %cond3A_378 = arith.constant 0 : i32
      %cond3A_379 = arith.cmpi ne, %convert_element_type3A_377, %cond3A_378 : i32
      scf.if %cond3A_379 {
        %sub3A = arith.constant 4 : i32
        %sub3A_501 = arith.subi %add3A_363, %sub3A : i32
        %mul3A_502 = arith.constant 32 : i32
        %mul3A_503 = arith.muli %sub3A_501, %mul3A_502 : i32
        %add3A_504 = arith.addi %mul3A_503, %add3A : i32
        %dma_wait3A_505 = arith.constant 1 : i32
        %dma_wait3A_506 = arith.constant 0 : i32
        %dma_wait3A_507 = arith.constant 0 : i32
        %dma_wait3A_508 = tpu.memref_slice %arg6[%dma_wait3A_505, %dma_wait3A_506, %dma_wait3A_507] : memref<8x128x64xf32, #tpu.memory_space<vmem>> -> memref<1x128x64xf32, #tpu.memory_space<vmem>>
        %dma_wait3A_509 = tpu.memref_squeeze %dma_wait3A_508 : memref<1x128x64xf32, #tpu.memory_space<vmem>> -> memref<128x64xf32, #tpu.memory_space<vmem>>
        %dma_wait3A_510 = arith.constant 0 : i32
        %dma_wait3A_511 = arith.constant 0 : i32
        %dma_wait3A_512 = tpu.memref_slice %arg4[%add3A_504, %dma_wait3A_510, %dma_wait3A_511] : memref<6400x128x64xf32, #tpu.memory_space<hbm>> -> memref<1x128x64xf32, #tpu.memory_space<hbm>>
        %dma_wait3A_513 = tpu.memref_squeeze %dma_wait3A_512 : memref<1x128x64xf32, #tpu.memory_space<hbm>> -> memref<128x64xf32, #tpu.memory_space<hbm>>
        %dma_wait3A_514 = arith.constant 0 : i32
        %dma_wait3A_515 = arith.constant 0 : i32
        %dma_wait3A_516 = tpu.memref_slice %arg4[%add3A_504, %dma_wait3A_514, %dma_wait3A_515] : memref<6400x128x64xf32, #tpu.memory_space<hbm>> -> memref<1x128x64xf32, #tpu.memory_space<hbm>>
        %dma_wait3A_517 = tpu.memref_squeeze %dma_wait3A_516 : memref<1x128x64xf32, #tpu.memory_space<hbm>> -> memref<128x64xf32, #tpu.memory_space<hbm>>
        %dma_wait3A_518 = arith.constant 0 : i32
        %dma_wait3A_519 = arith.constant 0 : i32
        %dma_wait3A_520 = tpu.memref_slice %arg6[%dma_wait3A_505, %dma_wait3A_518, %dma_wait3A_519] : memref<8x128x64xf32, #tpu.memory_space<vmem>> -> memref<1x128x64xf32, #tpu.memory_space<vmem>>
        %dma_wait3A_521 = tpu.memref_squeeze %dma_wait3A_520 : memref<1x128x64xf32, #tpu.memory_space<vmem>> -> memref<128x64xf32, #tpu.memory_space<vmem>>
        tpu.wait_dma2 semaphore(%arg16 : memref<!tpu.dma_semaphore, #tpu.memory_space<semaphore_mem>>) src(%dma_wait3A_521 : memref<128x64xf32, #tpu.memory_space<vmem>>) dst(%dma_wait3A_517 : memref<128x64xf32, #tpu.memory_space<hbm>>)
      } else {
      }
      %add3A_380 = arith.constant 4 : i32
      %add3A_381 = arith.addi %add3A_363, %add3A_380 : i32
      %lt3A_382 = arith.constant 200 : i32
      %lt3A_383 = arith.cmpi slt, %add3A_381, %lt3A_382 : i32
      %convert_element_type3A_384 = arith.extui %lt3A_383 : i1 to i32
      %cond3A_385 = arith.constant 0 : i32
      %cond3A_386 = arith.cmpi ne, %convert_element_type3A_384, %cond3A_385 : i32
      scf.if %cond3A_386 {
        %add3A_501 = arith.constant 4 : i32
        %add3A_502 = arith.addi %add3A_363, %add3A_501 : i32
        %dma_start3A_503 = arith.constant 1 : i32
        %dma_start3A_504 = arith.constant 0 : i32
        %dma_start3A_505 = arith.constant 0 : i32
        %dma_start3A_506 = tpu.memref_slice %arg6[%dma_start3A_503, %dma_start3A_504, %dma_start3A_505] : memref<8x128x64xf32, #tpu.memory_space<vmem>> -> memref<1x128x64xf32, #tpu.memory_space<vmem>>
        %dma_start3A_507 = tpu.memref_squeeze %dma_start3A_506 : memref<1x128x64xf32, #tpu.memory_space<vmem>> -> memref<128x64xf32, #tpu.memory_space<vmem>>
        %dma_start3A_508 = arith.constant 0 : i32
        %dma_start3A_509 = tpu.memref_slice %arg5[%add3A_502, %dma_start3A_508] : memref<200x128xi32, #tpu.memory_space<vmem>> -> memref<1x128xi32, #tpu.memory_space<vmem>>
        %dma_start3A_510 = tpu.memref_squeeze %dma_start3A_509 : memref<1x128xi32, #tpu.memory_space<vmem>> -> memref<128xi32, #tpu.memory_space<vmem>>
        %dma_start3A_511 = arith.constant 0 : i32
        %dma_start3A_512 = arith.constant 0 : i32
        %dma_start3A_513 = tpu.memref_slice %arg3[%dma_start3A_511, %dma_start3A_512] : memref<1003520x64xf32, #tpu.memory_space<hbm>> -> memref<1003520x64xf32, #tpu.memory_space<hbm>>
        tpu.enqueue_indirect_dma source(%dma_start3A_513 : memref<1003520x64xf32, #tpu.memory_space<hbm>>) target(%dma_start3A_507 : memref<128x64xf32, #tpu.memory_space<vmem>>) offsets(%dma_start3A_510 : memref<128xi32, #tpu.memory_space<vmem>>) semaphore(%arg8 : memref<!tpu.dma_semaphore, #tpu.memory_space<semaphore_mem>>)
      } else {
      }
      %mul3A_387 = arith.constant 32 : i32
      %mul3A_388 = arith.muli %add3A_363, %mul3A_387 : i32
      %add3A_389 = arith.addi %mul3A_388, %add3A : i32
      %dma_start3A_390 = arith.constant 5 : i32
      %dma_start3A_391 = arith.constant 0 : i32
      %dma_start3A_392 = arith.constant 0 : i32
      %dma_start3A_393 = tpu.memref_slice %arg6[%dma_start3A_390, %dma_start3A_391, %dma_start3A_392] : memref<8x128x64xf32, #tpu.memory_space<vmem>> -> memref<1x128x64xf32, #tpu.memory_space<vmem>>
      %dma_start3A_394 = tpu.memref_squeeze %dma_start3A_393 : memref<1x128x64xf32, #tpu.memory_space<vmem>> -> memref<128x64xf32, #tpu.memory_space<vmem>>
      %dma_start3A_395 = arith.constant 0 : i32
      %dma_start3A_396 = arith.constant 0 : i32
      %dma_start3A_397 = tpu.memref_slice %arg4[%add3A_389, %dma_start3A_395, %dma_start3A_396] : memref<6400x128x64xf32, #tpu.memory_space<hbm>> -> memref<1x128x64xf32, #tpu.memory_space<hbm>>
      %dma_start3A_398 = tpu.memref_squeeze %dma_start3A_397 : memref<1x128x64xf32, #tpu.memory_space<hbm>> -> memref<128x64xf32, #tpu.memory_space<hbm>>
      %dma_start3A_399 = arith.constant 0 : i32
      %dma_start3A_400 = arith.constant 0 : i32
      %dma_start3A_401 = tpu.memref_slice %arg4[%add3A_389, %dma_start3A_399, %dma_start3A_400] : memref<6400x128x64xf32, #tpu.memory_space<hbm>> -> memref<1x128x64xf32, #tpu.memory_space<hbm>>
      %dma_start3A_402 = tpu.memref_squeeze %dma_start3A_401 : memref<1x128x64xf32, #tpu.memory_space<hbm>> -> memref<128x64xf32, #tpu.memory_space<hbm>>
      %dma_start3A_403 = arith.constant 0 : i32
      %dma_start3A_404 = arith.constant 0 : i32
      %dma_start3A_405 = tpu.memref_slice %arg6[%dma_start3A_390, %dma_start3A_403, %dma_start3A_404] : memref<8x128x64xf32, #tpu.memory_space<vmem>> -> memref<1x128x64xf32, #tpu.memory_space<vmem>>
      %dma_start3A_406 = tpu.memref_squeeze %dma_start3A_405 : memref<1x128x64xf32, #tpu.memory_space<vmem>> -> memref<128x64xf32, #tpu.memory_space<vmem>>
      tpu.enqueue_dma source(%dma_start3A_406 : memref<128x64xf32, #tpu.memory_space<vmem>>) target(%dma_start3A_402 : memref<128x64xf32, #tpu.memory_space<hbm>>) target_semaphore(%arg20 : memref<!tpu.dma_semaphore, #tpu.memory_space<semaphore_mem>>)
      %mul3A_407 = arith.constant 8 : i32
      %mul3A_408 = arith.muli %scan3A_128, %mul3A_407 : i32
      %add3A_409 = arith.constant 6 : i32
      %add3A_410 = arith.addi %mul3A_408, %add3A_409 : i32
      %dma_wait3A_411 = arith.constant 6 : i32
      %dma_wait3A_412 = arith.constant 0 : i32
      %dma_wait3A_413 = arith.constant 0 : i32
      %dma_wait3A_414 = tpu.memref_slice %arg6[%dma_wait3A_411, %dma_wait3A_412, %dma_wait3A_413] : memref<8x128x64xf32, #tpu.memory_space<vmem>> -> memref<1x128x64xf32, #tpu.memory_space<vmem>>
      %dma_wait3A_415 = tpu.memref_squeeze %dma_wait3A_414 : memref<1x128x64xf32, #tpu.memory_space<vmem>> -> memref<128x64xf32, #tpu.memory_space<vmem>>
      %dma_wait3A_416 = arith.constant 0 : i32
      %dma_wait3A_417 = tpu.memref_slice %arg5[%add3A_410, %dma_wait3A_416] : memref<200x128xi32, #tpu.memory_space<vmem>> -> memref<1x128xi32, #tpu.memory_space<vmem>>
      %dma_wait3A_418 = tpu.memref_squeeze %dma_wait3A_417 : memref<1x128xi32, #tpu.memory_space<vmem>> -> memref<128xi32, #tpu.memory_space<vmem>>
      %dma_wait3A_419 = arith.constant 0 : i32
      %dma_wait3A_420 = arith.constant 0 : i32
      %dma_wait3A_421 = tpu.memref_slice %arg3[%dma_wait3A_419, %dma_wait3A_420] : memref<1003520x64xf32, #tpu.memory_space<hbm>> -> memref<1003520x64xf32, #tpu.memory_space<hbm>>
      tpu.wait_indirect_dma semaphore(%arg13 : memref<!tpu.dma_semaphore, #tpu.memory_space<semaphore_mem>>) src(%dma_wait3A_421 : memref<1003520x64xf32, #tpu.memory_space<hbm>>) dst(%dma_wait3A_415 : memref<128x64xf32, #tpu.memory_space<vmem>>)
      %ge3A_422 = arith.constant 4 : i32
      %ge3A_423 = arith.cmpi sge, %add3A_410, %ge3A_422 : i32
      %convert_element_type3A_424 = arith.extui %ge3A_423 : i1 to i32
      %cond3A_425 = arith.constant 0 : i32
      %cond3A_426 = arith.cmpi ne, %convert_element_type3A_424, %cond3A_425 : i32
      scf.if %cond3A_426 {
        %sub3A = arith.constant 4 : i32
        %sub3A_501 = arith.subi %add3A_410, %sub3A : i32
        %mul3A_502 = arith.constant 32 : i32
        %mul3A_503 = arith.muli %sub3A_501, %mul3A_502 : i32
        %add3A_504 = arith.addi %mul3A_503, %add3A : i32
        %dma_wait3A_505 = arith.constant 2 : i32
        %dma_wait3A_506 = arith.constant 0 : i32
        %dma_wait3A_507 = arith.constant 0 : i32
        %dma_wait3A_508 = tpu.memref_slice %arg6[%dma_wait3A_505, %dma_wait3A_506, %dma_wait3A_507] : memref<8x128x64xf32, #tpu.memory_space<vmem>> -> memref<1x128x64xf32, #tpu.memory_space<vmem>>
        %dma_wait3A_509 = tpu.memref_squeeze %dma_wait3A_508 : memref<1x128x64xf32, #tpu.memory_space<vmem>> -> memref<128x64xf32, #tpu.memory_space<vmem>>
        %dma_wait3A_510 = arith.constant 0 : i32
        %dma_wait3A_511 = arith.constant 0 : i32
        %dma_wait3A_512 = tpu.memref_slice %arg4[%add3A_504, %dma_wait3A_510, %dma_wait3A_511] : memref<6400x128x64xf32, #tpu.memory_space<hbm>> -> memref<1x128x64xf32, #tpu.memory_space<hbm>>
        %dma_wait3A_513 = tpu.memref_squeeze %dma_wait3A_512 : memref<1x128x64xf32, #tpu.memory_space<hbm>> -> memref<128x64xf32, #tpu.memory_space<hbm>>
        %dma_wait3A_514 = arith.constant 0 : i32
        %dma_wait3A_515 = arith.constant 0 : i32
        %dma_wait3A_516 = tpu.memref_slice %arg4[%add3A_504, %dma_wait3A_514, %dma_wait3A_515] : memref<6400x128x64xf32, #tpu.memory_space<hbm>> -> memref<1x128x64xf32, #tpu.memory_space<hbm>>
        %dma_wait3A_517 = tpu.memref_squeeze %dma_wait3A_516 : memref<1x128x64xf32, #tpu.memory_space<hbm>> -> memref<128x64xf32, #tpu.memory_space<hbm>>
        %dma_wait3A_518 = arith.constant 0 : i32
        %dma_wait3A_519 = arith.constant 0 : i32
        %dma_wait3A_520 = tpu.memref_slice %arg6[%dma_wait3A_505, %dma_wait3A_518, %dma_wait3A_519] : memref<8x128x64xf32, #tpu.memory_space<vmem>> -> memref<1x128x64xf32, #tpu.memory_space<vmem>>
        %dma_wait3A_521 = tpu.memref_squeeze %dma_wait3A_520 : memref<1x128x64xf32, #tpu.memory_space<vmem>> -> memref<128x64xf32, #tpu.memory_space<vmem>>
        tpu.wait_dma2 semaphore(%arg17 : memref<!tpu.dma_semaphore, #tpu.memory_space<semaphore_mem>>) src(%dma_wait3A_521 : memref<128x64xf32, #tpu.memory_space<vmem>>) dst(%dma_wait3A_517 : memref<128x64xf32, #tpu.memory_space<hbm>>)
      } else {
      }
      %add3A_427 = arith.constant 4 : i32
      %add3A_428 = arith.addi %add3A_410, %add3A_427 : i32
      %lt3A_429 = arith.constant 200 : i32
      %lt3A_430 = arith.cmpi slt, %add3A_428, %lt3A_429 : i32
      %convert_element_type3A_431 = arith.extui %lt3A_430 : i1 to i32
      %cond3A_432 = arith.constant 0 : i32
      %cond3A_433 = arith.cmpi ne, %convert_element_type3A_431, %cond3A_432 : i32
      scf.if %cond3A_433 {
        %add3A_501 = arith.constant 4 : i32
        %add3A_502 = arith.addi %add3A_410, %add3A_501 : i32
        %dma_start3A_503 = arith.constant 2 : i32
        %dma_start3A_504 = arith.constant 0 : i32
        %dma_start3A_505 = arith.constant 0 : i32
        %dma_start3A_506 = tpu.memref_slice %arg6[%dma_start3A_503, %dma_start3A_504, %dma_start3A_505] : memref<8x128x64xf32, #tpu.memory_space<vmem>> -> memref<1x128x64xf32, #tpu.memory_space<vmem>>
        %dma_start3A_507 = tpu.memref_squeeze %dma_start3A_506 : memref<1x128x64xf32, #tpu.memory_space<vmem>> -> memref<128x64xf32, #tpu.memory_space<vmem>>
        %dma_start3A_508 = arith.constant 0 : i32
        %dma_start3A_509 = tpu.memref_slice %arg5[%add3A_502, %dma_start3A_508] : memref<200x128xi32, #tpu.memory_space<vmem>> -> memref<1x128xi32, #tpu.memory_space<vmem>>
        %dma_start3A_510 = tpu.memref_squeeze %dma_start3A_509 : memref<1x128xi32, #tpu.memory_space<vmem>> -> memref<128xi32, #tpu.memory_space<vmem>>
        %dma_start3A_511 = arith.constant 0 : i32
        %dma_start3A_512 = arith.constant 0 : i32
        %dma_start3A_513 = tpu.memref_slice %arg3[%dma_start3A_511, %dma_start3A_512] : memref<1003520x64xf32, #tpu.memory_space<hbm>> -> memref<1003520x64xf32, #tpu.memory_space<hbm>>
        tpu.enqueue_indirect_dma source(%dma_start3A_513 : memref<1003520x64xf32, #tpu.memory_space<hbm>>) target(%dma_start3A_507 : memref<128x64xf32, #tpu.memory_space<vmem>>) offsets(%dma_start3A_510 : memref<128xi32, #tpu.memory_space<vmem>>) semaphore(%arg9 : memref<!tpu.dma_semaphore, #tpu.memory_space<semaphore_mem>>)
      } else {
      }
      %mul3A_434 = arith.constant 32 : i32
      %mul3A_435 = arith.muli %add3A_410, %mul3A_434 : i32
      %add3A_436 = arith.addi %mul3A_435, %add3A : i32
      %dma_start3A_437 = arith.constant 6 : i32
      %dma_start3A_438 = arith.constant 0 : i32
      %dma_start3A_439 = arith.constant 0 : i32
      %dma_start3A_440 = tpu.memref_slice %arg6[%dma_start3A_437, %dma_start3A_438, %dma_start3A_439] : memref<8x128x64xf32, #tpu.memory_space<vmem>> -> memref<1x128x64xf32, #tpu.memory_space<vmem>>
      %dma_start3A_441 = tpu.memref_squeeze %dma_start3A_440 : memref<1x128x64xf32, #tpu.memory_space<vmem>> -> memref<128x64xf32, #tpu.memory_space<vmem>>
      %dma_start3A_442 = arith.constant 0 : i32
      %dma_start3A_443 = arith.constant 0 : i32
      %dma_start3A_444 = tpu.memref_slice %arg4[%add3A_436, %dma_start3A_442, %dma_start3A_443] : memref<6400x128x64xf32, #tpu.memory_space<hbm>> -> memref<1x128x64xf32, #tpu.memory_space<hbm>>
      %dma_start3A_445 = tpu.memref_squeeze %dma_start3A_444 : memref<1x128x64xf32, #tpu.memory_space<hbm>> -> memref<128x64xf32, #tpu.memory_space<hbm>>
      %dma_start3A_446 = arith.constant 0 : i32
      %dma_start3A_447 = arith.constant 0 : i32
      %dma_start3A_448 = tpu.memref_slice %arg4[%add3A_436, %dma_start3A_446, %dma_start3A_447] : memref<6400x128x64xf32, #tpu.memory_space<hbm>> -> memref<1x128x64xf32, #tpu.memory_space<hbm>>
      %dma_start3A_449 = tpu.memref_squeeze %dma_start3A_448 : memref<1x128x64xf32, #tpu.memory_space<hbm>> -> memref<128x64xf32, #tpu.memory_space<hbm>>
      %dma_start3A_450 = arith.constant 0 : i32
      %dma_start3A_451 = arith.constant 0 : i32
      %dma_start3A_452 = tpu.memref_slice %arg6[%dma_start3A_437, %dma_start3A_450, %dma_start3A_451] : memref<8x128x64xf32, #tpu.memory_space<vmem>> -> memref<1x128x64xf32, #tpu.memory_space<vmem>>
      %dma_start3A_453 = tpu.memref_squeeze %dma_start3A_452 : memref<1x128x64xf32, #tpu.memory_space<vmem>> -> memref<128x64xf32, #tpu.memory_space<vmem>>
      tpu.enqueue_dma source(%dma_start3A_453 : memref<128x64xf32, #tpu.memory_space<vmem>>) target(%dma_start3A_449 : memref<128x64xf32, #tpu.memory_space<hbm>>) target_semaphore(%arg21 : memref<!tpu.dma_semaphore, #tpu.memory_space<semaphore_mem>>)
      %mul3A_454 = arith.constant 8 : i32
      %mul3A_455 = arith.muli %scan3A_128, %mul3A_454 : i32
      %add3A_456 = arith.constant 7 : i32
      %add3A_457 = arith.addi %mul3A_455, %add3A_456 : i32
      %dma_wait3A_458 = arith.constant 7 : i32
      %dma_wait3A_459 = arith.constant 0 : i32
      %dma_wait3A_460 = arith.constant 0 : i32
      %dma_wait3A_461 = tpu.memref_slice %arg6[%dma_wait3A_458, %dma_wait3A_459, %dma_wait3A_460] : memref<8x128x64xf32, #tpu.memory_space<vmem>> -> memref<1x128x64xf32, #tpu.memory_space<vmem>>
      %dma_wait3A_462 = tpu.memref_squeeze %dma_wait3A_461 : memref<1x128x64xf32, #tpu.memory_space<vmem>> -> memref<128x64xf32, #tpu.memory_space<vmem>>
      %dma_wait3A_463 = arith.constant 0 : i32
      %dma_wait3A_464 = tpu.memref_slice %arg5[%add3A_457, %dma_wait3A_463] : memref<200x128xi32, #tpu.memory_space<vmem>> -> memref<1x128xi32, #tpu.memory_space<vmem>>
      %dma_wait3A_465 = tpu.memref_squeeze %dma_wait3A_464 : memref<1x128xi32, #tpu.memory_space<vmem>> -> memref<128xi32, #tpu.memory_space<vmem>>
      %dma_wait3A_466 = arith.constant 0 : i32
      %dma_wait3A_467 = arith.constant 0 : i32
      %dma_wait3A_468 = tpu.memref_slice %arg3[%dma_wait3A_466, %dma_wait3A_467] : memref<1003520x64xf32, #tpu.memory_space<hbm>> -> memref<1003520x64xf32, #tpu.memory_space<hbm>>
      tpu.wait_indirect_dma semaphore(%arg14 : memref<!tpu.dma_semaphore, #tpu.memory_space<semaphore_mem>>) src(%dma_wait3A_468 : memref<1003520x64xf32, #tpu.memory_space<hbm>>) dst(%dma_wait3A_462 : memref<128x64xf32, #tpu.memory_space<vmem>>)
      %ge3A_469 = arith.constant 4 : i32
      %ge3A_470 = arith.cmpi sge, %add3A_457, %ge3A_469 : i32
      %convert_element_type3A_471 = arith.extui %ge3A_470 : i1 to i32
      %cond3A_472 = arith.constant 0 : i32
      %cond3A_473 = arith.cmpi ne, %convert_element_type3A_471, %cond3A_472 : i32
      scf.if %cond3A_473 {
        %sub3A = arith.constant 4 : i32
        %sub3A_501 = arith.subi %add3A_457, %sub3A : i32
        %mul3A_502 = arith.constant 32 : i32
        %mul3A_503 = arith.muli %sub3A_501, %mul3A_502 : i32
        %add3A_504 = arith.addi %mul3A_503, %add3A : i32
        %dma_wait3A_505 = arith.constant 3 : i32
        %dma_wait3A_506 = arith.constant 0 : i32
        %dma_wait3A_507 = arith.constant 0 : i32
        %dma_wait3A_508 = tpu.memref_slice %arg6[%dma_wait3A_505, %dma_wait3A_506, %dma_wait3A_507] : memref<8x128x64xf32, #tpu.memory_space<vmem>> -> memref<1x128x64xf32, #tpu.memory_space<vmem>>
        %dma_wait3A_509 = tpu.memref_squeeze %dma_wait3A_508 : memref<1x128x64xf32, #tpu.memory_space<vmem>> -> memref<128x64xf32, #tpu.memory_space<vmem>>
        %dma_wait3A_510 = arith.constant 0 : i32
        %dma_wait3A_511 = arith.constant 0 : i32
        %dma_wait3A_512 = tpu.memref_slice %arg4[%add3A_504, %dma_wait3A_510, %dma_wait3A_511] : memref<6400x128x64xf32, #tpu.memory_space<hbm>> -> memref<1x128x64xf32, #tpu.memory_space<hbm>>
        %dma_wait3A_513 = tpu.memref_squeeze %dma_wait3A_512 : memref<1x128x64xf32, #tpu.memory_space<hbm>> -> memref<128x64xf32, #tpu.memory_space<hbm>>
        %dma_wait3A_514 = arith.constant 0 : i32
        %dma_wait3A_515 = arith.constant 0 : i32
        %dma_wait3A_516 = tpu.memref_slice %arg4[%add3A_504, %dma_wait3A_514, %dma_wait3A_515] : memref<6400x128x64xf32, #tpu.memory_space<hbm>> -> memref<1x128x64xf32, #tpu.memory_space<hbm>>
        %dma_wait3A_517 = tpu.memref_squeeze %dma_wait3A_516 : memref<1x128x64xf32, #tpu.memory_space<hbm>> -> memref<128x64xf32, #tpu.memory_space<hbm>>
        %dma_wait3A_518 = arith.constant 0 : i32
        %dma_wait3A_519 = arith.constant 0 : i32
        %dma_wait3A_520 = tpu.memref_slice %arg6[%dma_wait3A_505, %dma_wait3A_518, %dma_wait3A_519] : memref<8x128x64xf32, #tpu.memory_space<vmem>> -> memref<1x128x64xf32, #tpu.memory_space<vmem>>
        %dma_wait3A_521 = tpu.memref_squeeze %dma_wait3A_520 : memref<1x128x64xf32, #tpu.memory_space<vmem>> -> memref<128x64xf32, #tpu.memory_space<vmem>>
        tpu.wait_dma2 semaphore(%arg18 : memref<!tpu.dma_semaphore, #tpu.memory_space<semaphore_mem>>) src(%dma_wait3A_521 : memref<128x64xf32, #tpu.memory_space<vmem>>) dst(%dma_wait3A_517 : memref<128x64xf32, #tpu.memory_space<hbm>>)
      } else {
      }
      %add3A_474 = arith.constant 4 : i32
      %add3A_475 = arith.addi %add3A_457, %add3A_474 : i32
      %lt3A_476 = arith.constant 200 : i32
      %lt3A_477 = arith.cmpi slt, %add3A_475, %lt3A_476 : i32
      %convert_element_type3A_478 = arith.extui %lt3A_477 : i1 to i32
      %cond3A_479 = arith.constant 0 : i32
      %cond3A_480 = arith.cmpi ne, %convert_element_type3A_478, %cond3A_479 : i32
      scf.if %cond3A_480 {
        %add3A_501 = arith.constant 4 : i32
        %add3A_502 = arith.addi %add3A_457, %add3A_501 : i32
        %dma_start3A_503 = arith.constant 3 : i32
        %dma_start3A_504 = arith.constant 0 : i32
        %dma_start3A_505 = arith.constant 0 : i32
        %dma_start3A_506 = tpu.memref_slice %arg6[%dma_start3A_503, %dma_start3A_504, %dma_start3A_505] : memref<8x128x64xf32, #tpu.memory_space<vmem>> -> memref<1x128x64xf32, #tpu.memory_space<vmem>>
        %dma_start3A_507 = tpu.memref_squeeze %dma_start3A_506 : memref<1x128x64xf32, #tpu.memory_space<vmem>> -> memref<128x64xf32, #tpu.memory_space<vmem>>
        %dma_start3A_508 = arith.constant 0 : i32
        %dma_start3A_509 = tpu.memref_slice %arg5[%add3A_502, %dma_start3A_508] : memref<200x128xi32, #tpu.memory_space<vmem>> -> memref<1x128xi32, #tpu.memory_space<vmem>>
        %dma_start3A_510 = tpu.memref_squeeze %dma_start3A_509 : memref<1x128xi32, #tpu.memory_space<vmem>> -> memref<128xi32, #tpu.memory_space<vmem>>
        %dma_start3A_511 = arith.constant 0 : i32
        %dma_start3A_512 = arith.constant 0 : i32
        %dma_start3A_513 = tpu.memref_slice %arg3[%dma_start3A_511, %dma_start3A_512] : memref<1003520x64xf32, #tpu.memory_space<hbm>> -> memref<1003520x64xf32, #tpu.memory_space<hbm>>
        tpu.enqueue_indirect_dma source(%dma_start3A_513 : memref<1003520x64xf32, #tpu.memory_space<hbm>>) target(%dma_start3A_507 : memref<128x64xf32, #tpu.memory_space<vmem>>) offsets(%dma_start3A_510 : memref<128xi32, #tpu.memory_space<vmem>>) semaphore(%arg10 : memref<!tpu.dma_semaphore, #tpu.memory_space<semaphore_mem>>)
      } else {
      }
      %mul3A_481 = arith.constant 32 : i32
      %mul3A_482 = arith.muli %add3A_457, %mul3A_481 : i32
      %add3A_483 = arith.addi %mul3A_482, %add3A : i32
      %dma_start3A_484 = arith.constant 7 : i32
      %dma_start3A_485 = arith.constant 0 : i32
      %dma_start3A_486 = arith.constant 0 : i32
      %dma_start3A_487 = tpu.memref_slice %arg6[%dma_start3A_484, %dma_start3A_485, %dma_start3A_486] : memref<8x128x64xf32, #tpu.memory_space<vmem>> -> memref<1x128x64xf32, #tpu.memory_space<vmem>>
      %dma_start3A_488 = tpu.memref_squeeze %dma_start3A_487 : memref<1x128x64xf32, #tpu.memory_space<vmem>> -> memref<128x64xf32, #tpu.memory_space<vmem>>
      %dma_start3A_489 = arith.constant 0 : i32
      %dma_start3A_490 = arith.constant 0 : i32
      %dma_start3A_491 = tpu.memref_slice %arg4[%add3A_483, %dma_start3A_489, %dma_start3A_490] : memref<6400x128x64xf32, #tpu.memory_space<hbm>> -> memref<1x128x64xf32, #tpu.memory_space<hbm>>
      %dma_start3A_492 = tpu.memref_squeeze %dma_start3A_491 : memref<1x128x64xf32, #tpu.memory_space<hbm>> -> memref<128x64xf32, #tpu.memory_space<hbm>>
      %dma_start3A_493 = arith.constant 0 : i32
      %dma_start3A_494 = arith.constant 0 : i32
      %dma_start3A_495 = tpu.memref_slice %arg4[%add3A_483, %dma_start3A_493, %dma_start3A_494] : memref<6400x128x64xf32, #tpu.memory_space<hbm>> -> memref<1x128x64xf32, #tpu.memory_space<hbm>>
      %dma_start3A_496 = tpu.memref_squeeze %dma_start3A_495 : memref<1x128x64xf32, #tpu.memory_space<hbm>> -> memref<128x64xf32, #tpu.memory_space<hbm>>
      %dma_start3A_497 = arith.constant 0 : i32
      %dma_start3A_498 = arith.constant 0 : i32
      %dma_start3A_499 = tpu.memref_slice %arg6[%dma_start3A_484, %dma_start3A_497, %dma_start3A_498] : memref<8x128x64xf32, #tpu.memory_space<vmem>> -> memref<1x128x64xf32, #tpu.memory_space<vmem>>
      %dma_start3A_500 = tpu.memref_squeeze %dma_start3A_499 : memref<1x128x64xf32, #tpu.memory_space<vmem>> -> memref<128x64xf32, #tpu.memory_space<vmem>>
      tpu.enqueue_dma source(%dma_start3A_500 : memref<128x64xf32, #tpu.memory_space<vmem>>) target(%dma_start3A_496 : memref<128x64xf32, #tpu.memory_space<hbm>>) target_semaphore(%arg22 : memref<!tpu.dma_semaphore, #tpu.memory_space<semaphore_mem>>)
    }
    %scan3A_52 = arith.constant 25 : i32
    %add3A_53 = arith.constant 6272 : i32
    %add3A_54 = arith.addi %add3A_53, %add3A : i32
    %dma_wait3A = arith.constant 4 : i32
    %dma_wait3A_55 = arith.constant 0 : i32
    %dma_wait3A_56 = arith.constant 0 : i32
    %dma_wait3A_57 = tpu.memref_slice %arg6[%dma_wait3A, %dma_wait3A_55, %dma_wait3A_56] : memref<8x128x64xf32, #tpu.memory_space<vmem>> -> memref<1x128x64xf32, #tpu.memory_space<vmem>>
    %dma_wait3A_58 = tpu.memref_squeeze %dma_wait3A_57 : memref<1x128x64xf32, #tpu.memory_space<vmem>> -> memref<128x64xf32, #tpu.memory_space<vmem>>
    %dma_wait3A_59 = arith.constant 0 : i32
    %dma_wait3A_60 = arith.constant 0 : i32
    %dma_wait3A_61 = tpu.memref_slice %arg4[%add3A_54, %dma_wait3A_59, %dma_wait3A_60] : memref<6400x128x64xf32, #tpu.memory_space<hbm>> -> memref<1x128x64xf32, #tpu.memory_space<hbm>>
    %dma_wait3A_62 = tpu.memref_squeeze %dma_wait3A_61 : memref<1x128x64xf32, #tpu.memory_space<hbm>> -> memref<128x64xf32, #tpu.memory_space<hbm>>
    %dma_wait3A_63 = arith.constant 0 : i32
    %dma_wait3A_64 = arith.constant 0 : i32
    %dma_wait3A_65 = tpu.memref_slice %arg4[%add3A_54, %dma_wait3A_63, %dma_wait3A_64] : memref<6400x128x64xf32, #tpu.memory_space<hbm>> -> memref<1x128x64xf32, #tpu.memory_space<hbm>>
    %dma_wait3A_66 = tpu.memref_squeeze %dma_wait3A_65 : memref<1x128x64xf32, #tpu.memory_space<hbm>> -> memref<128x64xf32, #tpu.memory_space<hbm>>
    %dma_wait3A_67 = arith.constant 0 : i32
    %dma_wait3A_68 = arith.constant 0 : i32
    %dma_wait3A_69 = tpu.memref_slice %arg6[%dma_wait3A, %dma_wait3A_67, %dma_wait3A_68] : memref<8x128x64xf32, #tpu.memory_space<vmem>> -> memref<1x128x64xf32, #tpu.memory_space<vmem>>
    %dma_wait3A_70 = tpu.memref_squeeze %dma_wait3A_69 : memref<1x128x64xf32, #tpu.memory_space<vmem>> -> memref<128x64xf32, #tpu.memory_space<vmem>>
    tpu.wait_dma2 semaphore(%arg19 : memref<!tpu.dma_semaphore, #tpu.memory_space<semaphore_mem>>) src(%dma_wait3A_70 : memref<128x64xf32, #tpu.memory_space<vmem>>) dst(%dma_wait3A_66 : memref<128x64xf32, #tpu.memory_space<hbm>>)
    %add3A_71 = arith.constant 6304 : i32
    %add3A_72 = arith.addi %add3A_71, %add3A : i32
    %dma_wait3A_73 = arith.constant 5 : i32
    %dma_wait3A_74 = arith.constant 0 : i32
    %dma_wait3A_75 = arith.constant 0 : i32
    %dma_wait3A_76 = tpu.memref_slice %arg6[%dma_wait3A_73, %dma_wait3A_74, %dma_wait3A_75] : memref<8x128x64xf32, #tpu.memory_space<vmem>> -> memref<1x128x64xf32, #tpu.memory_space<vmem>>
    %dma_wait3A_77 = tpu.memref_squeeze %dma_wait3A_76 : memref<1x128x64xf32, #tpu.memory_space<vmem>> -> memref<128x64xf32, #tpu.memory_space<vmem>>
    %dma_wait3A_78 = arith.constant 0 : i32
    %dma_wait3A_79 = arith.constant 0 : i32
    %dma_wait3A_80 = tpu.memref_slice %arg4[%add3A_72, %dma_wait3A_78, %dma_wait3A_79] : memref<6400x128x64xf32, #tpu.memory_space<hbm>> -> memref<1x128x64xf32, #tpu.memory_space<hbm>>
    %dma_wait3A_81 = tpu.memref_squeeze %dma_wait3A_80 : memref<1x128x64xf32, #tpu.memory_space<hbm>> -> memref<128x64xf32, #tpu.memory_space<hbm>>
    %dma_wait3A_82 = arith.constant 0 : i32
    %dma_wait3A_83 = arith.constant 0 : i32
    %dma_wait3A_84 = tpu.memref_slice %arg4[%add3A_72, %dma_wait3A_82, %dma_wait3A_83] : memref<6400x128x64xf32, #tpu.memory_space<hbm>> -> memref<1x128x64xf32, #tpu.memory_space<hbm>>
    %dma_wait3A_85 = tpu.memref_squeeze %dma_wait3A_84 : memref<1x128x64xf32, #tpu.memory_space<hbm>> -> memref<128x64xf32, #tpu.memory_space<hbm>>
    %dma_wait3A_86 = arith.constant 0 : i32
    %dma_wait3A_87 = arith.constant 0 : i32
    %dma_wait3A_88 = tpu.memref_slice %arg6[%dma_wait3A_73, %dma_wait3A_86, %dma_wait3A_87] : memref<8x128x64xf32, #tpu.memory_space<vmem>> -> memref<1x128x64xf32, #tpu.memory_space<vmem>>
    %dma_wait3A_89 = tpu.memref_squeeze %dma_wait3A_88 : memref<1x128x64xf32, #tpu.memory_space<vmem>> -> memref<128x64xf32, #tpu.memory_space<vmem>>
    tpu.wait_dma2 semaphore(%arg20 : memref<!tpu.dma_semaphore, #tpu.memory_space<semaphore_mem>>) src(%dma_wait3A_89 : memref<128x64xf32, #tpu.memory_space<vmem>>) dst(%dma_wait3A_85 : memref<128x64xf32, #tpu.memory_space<hbm>>)
    %add3A_90 = arith.constant 6336 : i32
    %add3A_91 = arith.addi %add3A_90, %add3A : i32
    %dma_wait3A_92 = arith.constant 6 : i32
    %dma_wait3A_93 = arith.constant 0 : i32
    %dma_wait3A_94 = arith.constant 0 : i32
    %dma_wait3A_95 = tpu.memref_slice %arg6[%dma_wait3A_92, %dma_wait3A_93, %dma_wait3A_94] : memref<8x128x64xf32, #tpu.memory_space<vmem>> -> memref<1x128x64xf32, #tpu.memory_space<vmem>>
    %dma_wait3A_96 = tpu.memref_squeeze %dma_wait3A_95 : memref<1x128x64xf32, #tpu.memory_space<vmem>> -> memref<128x64xf32, #tpu.memory_space<vmem>>
    %dma_wait3A_97 = arith.constant 0 : i32
    %dma_wait3A_98 = arith.constant 0 : i32
    %dma_wait3A_99 = tpu.memref_slice %arg4[%add3A_91, %dma_wait3A_97, %dma_wait3A_98] : memref<6400x128x64xf32, #tpu.memory_space<hbm>> -> memref<1x128x64xf32, #tpu.memory_space<hbm>>
    %dma_wait3A_100 = tpu.memref_squeeze %dma_wait3A_99 : memref<1x128x64xf32, #tpu.memory_space<hbm>> -> memref<128x64xf32, #tpu.memory_space<hbm>>
    %dma_wait3A_101 = arith.constant 0 : i32
    %dma_wait3A_102 = arith.constant 0 : i32
    %dma_wait3A_103 = tpu.memref_slice %arg4[%add3A_91, %dma_wait3A_101, %dma_wait3A_102] : memref<6400x128x64xf32, #tpu.memory_space<hbm>> -> memref<1x128x64xf32, #tpu.memory_space<hbm>>
    %dma_wait3A_104 = tpu.memref_squeeze %dma_wait3A_103 : memref<1x128x64xf32, #tpu.memory_space<hbm>> -> memref<128x64xf32, #tpu.memory_space<hbm>>
    %dma_wait3A_105 = arith.constant 0 : i32
    %dma_wait3A_106 = arith.constant 0 : i32
    %dma_wait3A_107 = tpu.memref_slice %arg6[%dma_wait3A_92, %dma_wait3A_105, %dma_wait3A_106] : memref<8x128x64xf32, #tpu.memory_space<vmem>> -> memref<1x128x64xf32, #tpu.memory_space<vmem>>
    %dma_wait3A_108 = tpu.memref_squeeze %dma_wait3A_107 : memref<1x128x64xf32, #tpu.memory_space<vmem>> -> memref<128x64xf32, #tpu.memory_space<vmem>>
    tpu.wait_dma2 semaphore(%arg21 : memref<!tpu.dma_semaphore, #tpu.memory_space<semaphore_mem>>) src(%dma_wait3A_108 : memref<128x64xf32, #tpu.memory_space<vmem>>) dst(%dma_wait3A_104 : memref<128x64xf32, #tpu.memory_space<hbm>>)
    %add3A_109 = arith.constant 6368 : i32
    %add3A_110 = arith.addi %add3A_109, %add3A : i32
    %dma_wait3A_111 = arith.constant 7 : i32
    %dma_wait3A_112 = arith.constant 0 : i32
    %dma_wait3A_113 = arith.constant 0 : i32
    %dma_wait3A_114 = tpu.memref_slice %arg6[%dma_wait3A_111, %dma_wait3A_112, %dma_wait3A_113] : memref<8x128x64xf32, #tpu.memory_space<vmem>> -> memref<1x128x64xf32, #tpu.memory_space<vmem>>
    %dma_wait3A_115 = tpu.memref_squeeze %dma_wait3A_114 : memref<1x128x64xf32, #tpu.memory_space<vmem>> -> memref<128x64xf32, #tpu.memory_space<vmem>>
    %dma_wait3A_116 = arith.constant 0 : i32
    %dma_wait3A_117 = arith.constant 0 : i32
    %dma_wait3A_118 = tpu.memref_slice %arg4[%add3A_110, %dma_wait3A_116, %dma_wait3A_117] : memref<6400x128x64xf32, #tpu.memory_space<hbm>> -> memref<1x128x64xf32, #tpu.memory_space<hbm>>
    %dma_wait3A_119 = tpu.memref_squeeze %dma_wait3A_118 : memref<1x128x64xf32, #tpu.memory_space<hbm>> -> memref<128x64xf32, #tpu.memory_space<hbm>>
    %dma_wait3A_120 = arith.constant 0 : i32
    %dma_wait3A_121 = arith.constant 0 : i32
    %dma_wait3A_122 = tpu.memref_slice %arg4[%add3A_110, %dma_wait3A_120, %dma_wait3A_121] : memref<6400x128x64xf32, #tpu.memory_space<hbm>> -> memref<1x128x64xf32, #tpu.memory_space<hbm>>
    %dma_wait3A_123 = tpu.memref_squeeze %dma_wait3A_122 : memref<1x128x64xf32, #tpu.memory_space<hbm>> -> memref<128x64xf32, #tpu.memory_space<hbm>>
    %dma_wait3A_124 = arith.constant 0 : i32
    %dma_wait3A_125 = arith.constant 0 : i32
    %dma_wait3A_126 = tpu.memref_slice %arg6[%dma_wait3A_111, %dma_wait3A_124, %dma_wait3A_125] : memref<8x128x64xf32, #tpu.memory_space<vmem>> -> memref<1x128x64xf32, #tpu.memory_space<vmem>>
    %dma_wait3A_127 = tpu.memref_squeeze %dma_wait3A_126 : memref<1x128x64xf32, #tpu.memory_space<vmem>> -> memref<128x64xf32, #tpu.memory_space<vmem>>
    tpu.wait_dma2 semaphore(%arg22 : memref<!tpu.dma_semaphore, #tpu.memory_space<semaphore_mem>>) src(%dma_wait3A_127 : memref<128x64xf32, #tpu.memory_space<vmem>>) dst(%dma_wait3A_123 : memref<128x64xf32, #tpu.memory_space<hbm>>)
    return
  }
}

module attributes {stable_mosaic.version = 14 : i64} {
  func.func @a_body(%arg0: i32, %arg1: memref<64x4096xf32, #tpu.memory_space<vmem>>, %arg2: memref<64x64xf32, #tpu.memory_space<vmem>>, %arg3: memref<2048x128xf32, #tpu.memory_space<vmem>>) attributes {dimension_semantics = [#tpu.dimension_semantics<arbitrary>], iteration_bounds = array<i64: 245>, scalar_prefetch = 0 : i64, scratch_operands = 0 : i64, tpu.core_type = #tpu.core_type<tc>, window_params = [{transform_indices = @transform_0, window_bounds = array<i64: 64, 4096>}, {pipeline_mode = #tpu.pipeline_mode<synchronous>, transform_indices = @transform_1, window_bounds = array<i64: 64, 64>}, {transform_indices = @transform_2, window_bounds = array<i64: 2048, 128>}]} {
    %get3A = arith.constant 0 : index
    %get3A_0 = arith.constant 0 : index
    %get3A_1 = vector.load %arg1[%get3A, %get3A_0] : memref<64x4096xf32, #tpu.memory_space<vmem>>, vector<64x4096xf32>
    %mul3A = arith.constant 8.000000e+00 : f32
    %mul3A_2 = vector.broadcast %mul3A : f32 to vector<64x4096xf32>
    %mul3A_3 = arith.mulf %get3A_1, %mul3A_2 : vector<64x4096xf32>
    %get3A_4 = arith.constant 0 : index
    %get3A_5 = arith.constant 0 : index
    %get3A_6 = vector.load %arg2[%get3A_4, %get3A_5] : memref<64x64xf32, #tpu.memory_space<vmem>>, vector<64x64xf32>
    %dot_general3A = arith.constant dense<0.000000e+00> : vector<4096x64xf32>
    %dot_general3A_7 = tpu.matmul %mul3A_3, %get3A_6, %dot_general3A {dimension_numbers = #tpu.dot_dimension_numbers<[0], [0], [1], [1], [0, 1, 1, 1], [], []>, transpose_lhs_hint = false} : vector<64x4096xf32>, vector<64x64xf32>, vector<4096x64xf32> -> vector<4096x64xf32>
    %slice3A = vector.extract_strided_slice %dot_general3A_7 {offsets = [0, 0], sizes = [2048, 64], strides = [1, 1]} : vector<4096x64xf32> to vector<2048x64xf32>
    %slice3A_8 = vector.extract_strided_slice %dot_general3A_7 {offsets = [2048, 0], sizes = [2048, 64], strides = [1, 1]} : vector<4096x64xf32> to vector<2048x64xf32>
    %concatenate3A = tpu.concatenate %slice3A, %slice3A_8 in 1 : vector<2048x64xf32>, vector<2048x64xf32> -> vector<2048x128xf32>
    %swap3A = arith.constant 0 : index
    %swap3A_9 = arith.constant 0 : index
    %swap3A_10 = vector.load %arg3[%swap3A, %swap3A_9] : memref<2048x128xf32, #tpu.memory_space<vmem>>, vector<2048x128xf32>
    tpu.vector_store %arg3[%swap3A, %swap3A_9], %concatenate3A {strides = array<i32>} : memref<2048x128xf32, #tpu.memory_space<vmem>>, vector<2048x128xf32>,
    return
  }
  func.func @transform_0(%arg0: i32) -> (i32, i32) {
    %c0_i32 = arith.constant 0 : i32
    %c0_i32_0 = arith.constant 0 : i32
    return %c0_i32, %arg0 : i32, i32
  }
  func.func @transform_1(%arg0: i32) -> (i32, i32) {
    %c0_i32 = arith.constant 0 : i32
    %c0_i32_0 = arith.constant 0 : i32
    %c0_i32_1 = arith.constant 0 : i32
    return %c0_i32, %c0_i32_0 : i32, i32
  }
  func.func @transform_2(%arg0: i32) -> (i32, i32) {
    %c0_i32 = arith.constant 0 : i32
    %c0_i32_0 = arith.constant 0 : i32
    return %arg0, %c0_i32 : i32, i32
  }
}

module attributes {stable_mosaic.version = 14 : i64} {
  func.func @c_body(%arg0: i32, %arg1: i32, %arg2: memref<512x128xf32, #tpu.memory_space<vmem>>, %arg3: memref<64x64xf32, #tpu.memory_space<vmem>>, %arg4: memref<1x64x1024xf32, #tpu.memory_space<vmem>>) attributes {dimension_semantics = [#tpu.dimension_semantics<arbitrary>, #tpu.dimension_semantics<arbitrary>], iteration_bounds = array<i64: 200, 4>, scalar_prefetch = 0 : i64, scratch_operands = 0 : i64, tpu.core_type = #tpu.core_type<tc>, window_params = [{transform_indices = @transform_0, window_bounds = array<i64: 512, 128>}, {pipeline_mode = #tpu.pipeline_mode<synchronous>, transform_indices = @transform_1, window_bounds = array<i64: 64, 64>}, {transform_indices = @transform_2, window_bounds = array<i64: 1, 64, 1024>}]} {
    %get3A = arith.constant 0 : index
    %get3A_0 = arith.constant 0 : index
    %get3A_1 = vector.load %arg3[%get3A, %get3A_0] : memref<64x64xf32, #tpu.memory_space<vmem>>, vector<64x64xf32>
    %get3A_2 = arith.constant 0 : index
    %get3A_3 = arith.constant 0 : index
    %get3A_4 = vector.load %arg2[%get3A_2, %get3A_3] : memref<512x128xf32, #tpu.memory_space<vmem>>, vector<64x128xf32>
    %slice3A = vector.extract_strided_slice %get3A_4 {offsets = [0, 0], sizes = [64, 64], strides = [1, 1]} : vector<64x128xf32> to vector<64x64xf32>
    %dot_general3A = arith.constant dense<0.000000e+00> : vector<64x64xf32>
    %dot_general3A_5 = tpu.matmul %slice3A, %get3A_1, %dot_general3A {dimension_numbers = #tpu.dot_dimension_numbers<[0], [0], [1], [1], [0, 1, 1, 1], [], []>, transpose_lhs_hint = false} : vector<64x64xf32>, vector<64x64xf32>, vector<64x64xf32> -> vector<64x64xf32>
    %slice3A_6 = vector.extract_strided_slice %get3A_4 {offsets = [0, 64], sizes = [64, 64], strides = [1, 1]} : vector<64x128xf32> to vector<64x64xf32>
    %dot_general3A_7 = arith.constant dense<0.000000e+00> : vector<64x64xf32>
    %dot_general3A_8 = tpu.matmul %slice3A_6, %get3A_1, %dot_general3A_7 {dimension_numbers = #tpu.dot_dimension_numbers<[0], [0], [1], [1], [0, 1, 1, 1], [], []>, transpose_lhs_hint = false} : vector<64x64xf32>, vector<64x64xf32>, vector<64x64xf32> -> vector<64x64xf32>
    %concatenate3A = tpu.concatenate %dot_general3A_5, %dot_general3A_8 in 1 : vector<64x64xf32>, vector<64x64xf32> -> vector<64x128xf32>
    %swap3A = arith.constant 0 : index
    %swap3A_9 = arith.constant 0 : index
    %swap3A_10 = arith.constant 0 : index
    %swap3A_11 = vector.load %arg4[%swap3A, %swap3A_9, %swap3A_10] : memref<1x64x1024xf32, #tpu.memory_space<vmem>>, vector<1x64x128xf32>
    %swap3A_12 = vector.shape_cast %swap3A_11 : vector<1x64x128xf32> to vector<64x128xf32>
    %swap3A_13 = vector.shape_cast %concatenate3A : vector<64x128xf32> to vector<1x64x128xf32>
    tpu.vector_store %arg4[%swap3A, %swap3A_9, %swap3A_10], %swap3A_13 {strides = array<i32>} : memref<1x64x1024xf32, #tpu.memory_space<vmem>>, vector<1x64x128xf32>,
    %get3A_14 = arith.constant 64 : index
    %get3A_15 = arith.constant 0 : index
    %get3A_16 = vector.load %arg2[%get3A_14, %get3A_15] : memref<512x128xf32, #tpu.memory_space<vmem>>, vector<64x128xf32>
    %slice3A_17 = vector.extract_strided_slice %get3A_16 {offsets = [0, 0], sizes = [64, 64], strides = [1, 1]} : vector<64x128xf32> to vector<64x64xf32>
    %dot_general3A_18 = arith.constant dense<0.000000e+00> : vector<64x64xf32>
    %dot_general3A_19 = tpu.matmul %slice3A_17, %get3A_1, %dot_general3A_18 {dimension_numbers = #tpu.dot_dimension_numbers<[0], [0], [1], [1], [0, 1, 1, 1], [], []>, transpose_lhs_hint = false} : vector<64x64xf32>, vector<64x64xf32>, vector<64x64xf32> -> vector<64x64xf32>
    %slice3A_20 = vector.extract_strided_slice %get3A_16 {offsets = [0, 64], sizes = [64, 64], strides = [1, 1]} : vector<64x128xf32> to vector<64x64xf32>
    %dot_general3A_21 = arith.constant dense<0.000000e+00> : vector<64x64xf32>
    %dot_general3A_22 = tpu.matmul %slice3A_20, %get3A_1, %dot_general3A_21 {dimension_numbers = #tpu.dot_dimension_numbers<[0], [0], [1], [1], [0, 1, 1, 1], [], []>, transpose_lhs_hint = false} : vector<64x64xf32>, vector<64x64xf32>, vector<64x64xf32> -> vector<64x64xf32>
    %concatenate3A_23 = tpu.concatenate %dot_general3A_19, %dot_general3A_22 in 1 : vector<64x64xf32>, vector<64x64xf32> -> vector<64x128xf32>
    %swap3A_24 = arith.constant 0 : index
    %swap3A_25 = arith.constant 0 : index
    %swap3A_26 = arith.constant 128 : index
    %swap3A_27 = vector.load %arg4[%swap3A_24, %swap3A_25, %swap3A_26] : memref<1x64x1024xf32, #tpu.memory_space<vmem>>, vector<1x64x128xf32>
    %swap3A_28 = vector.shape_cast %swap3A_27 : vector<1x64x128xf32> to vector<64x128xf32>
    %swap3A_29 = vector.shape_cast %concatenate3A_23 : vector<64x128xf32> to vector<1x64x128xf32>
    tpu.vector_store %arg4[%swap3A_24, %swap3A_25, %swap3A_26], %swap3A_29 {strides = array<i32>} : memref<1x64x1024xf32, #tpu.memory_space<vmem>>, vector<1x64x128xf32>,
    %get3A_30 = arith.constant 128 : index
    %get3A_31 = arith.constant 0 : index
    %get3A_32 = vector.load %arg2[%get3A_30, %get3A_31] : memref<512x128xf32, #tpu.memory_space<vmem>>, vector<64x128xf32>
    %slice3A_33 = vector.extract_strided_slice %get3A_32 {offsets = [0, 0], sizes = [64, 64], strides = [1, 1]} : vector<64x128xf32> to vector<64x64xf32>
    %dot_general3A_34 = arith.constant dense<0.000000e+00> : vector<64x64xf32>
    %dot_general3A_35 = tpu.matmul %slice3A_33, %get3A_1, %dot_general3A_34 {dimension_numbers = #tpu.dot_dimension_numbers<[0], [0], [1], [1], [0, 1, 1, 1], [], []>, transpose_lhs_hint = false} : vector<64x64xf32>, vector<64x64xf32>, vector<64x64xf32> -> vector<64x64xf32>
    %slice3A_36 = vector.extract_strided_slice %get3A_32 {offsets = [0, 64], sizes = [64, 64], strides = [1, 1]} : vector<64x128xf32> to vector<64x64xf32>
    %dot_general3A_37 = arith.constant dense<0.000000e+00> : vector<64x64xf32>
    %dot_general3A_38 = tpu.matmul %slice3A_36, %get3A_1, %dot_general3A_37 {dimension_numbers = #tpu.dot_dimension_numbers<[0], [0], [1], [1], [0, 1, 1, 1], [], []>, transpose_lhs_hint = false} : vector<64x64xf32>, vector<64x64xf32>, vector<64x64xf32> -> vector<64x64xf32>
    %concatenate3A_39 = tpu.concatenate %dot_general3A_35, %dot_general3A_38 in 1 : vector<64x64xf32>, vector<64x64xf32> -> vector<64x128xf32>
    %swap3A_40 = arith.constant 0 : index
    %swap3A_41 = arith.constant 0 : index
    %swap3A_42 = arith.constant 256 : index
    %swap3A_43 = vector.load %arg4[%swap3A_40, %swap3A_41, %swap3A_42] : memref<1x64x1024xf32, #tpu.memory_space<vmem>>, vector<1x64x128xf32>
    %swap3A_44 = vector.shape_cast %swap3A_43 : vector<1x64x128xf32> to vector<64x128xf32>
    %swap3A_45 = vector.shape_cast %concatenate3A_39 : vector<64x128xf32> to vector<1x64x128xf32>
    tpu.vector_store %arg4[%swap3A_40, %swap3A_41, %swap3A_42], %swap3A_45 {strides = array<i32>} : memref<1x64x1024xf32, #tpu.memory_space<vmem>>, vector<1x64x128xf32>,
    %get3A_46 = arith.constant 192 : index
    %get3A_47 = arith.constant 0 : index
    %get3A_48 = vector.load %arg2[%get3A_46, %get3A_47] : memref<512x128xf32, #tpu.memory_space<vmem>>, vector<64x128xf32>
    %slice3A_49 = vector.extract_strided_slice %get3A_48 {offsets = [0, 0], sizes = [64, 64], strides = [1, 1]} : vector<64x128xf32> to vector<64x64xf32>
    %dot_general3A_50 = arith.constant dense<0.000000e+00> : vector<64x64xf32>
    %dot_general3A_51 = tpu.matmul %slice3A_49, %get3A_1, %dot_general3A_50 {dimension_numbers = #tpu.dot_dimension_numbers<[0], [0], [1], [1], [0, 1, 1, 1], [], []>, transpose_lhs_hint = false} : vector<64x64xf32>, vector<64x64xf32>, vector<64x64xf32> -> vector<64x64xf32>
    %slice3A_52 = vector.extract_strided_slice %get3A_48 {offsets = [0, 64], sizes = [64, 64], strides = [1, 1]} : vector<64x128xf32> to vector<64x64xf32>
    %dot_general3A_53 = arith.constant dense<0.000000e+00> : vector<64x64xf32>
    %dot_general3A_54 = tpu.matmul %slice3A_52, %get3A_1, %dot_general3A_53 {dimension_numbers = #tpu.dot_dimension_numbers<[0], [0], [1], [1], [0, 1, 1, 1], [], []>, transpose_lhs_hint = false} : vector<64x64xf32>, vector<64x64xf32>, vector<64x64xf32> -> vector<64x64xf32>
    %concatenate3A_55 = tpu.concatenate %dot_general3A_51, %dot_general3A_54 in 1 : vector<64x64xf32>, vector<64x64xf32> -> vector<64x128xf32>
    %swap3A_56 = arith.constant 0 : index
    %swap3A_57 = arith.constant 0 : index
    %swap3A_58 = arith.constant 384 : index
    %swap3A_59 = vector.load %arg4[%swap3A_56, %swap3A_57, %swap3A_58] : memref<1x64x1024xf32, #tpu.memory_space<vmem>>, vector<1x64x128xf32>
    %swap3A_60 = vector.shape_cast %swap3A_59 : vector<1x64x128xf32> to vector<64x128xf32>
    %swap3A_61 = vector.shape_cast %concatenate3A_55 : vector<64x128xf32> to vector<1x64x128xf32>
    tpu.vector_store %arg4[%swap3A_56, %swap3A_57, %swap3A_58], %swap3A_61 {strides = array<i32>} : memref<1x64x1024xf32, #tpu.memory_space<vmem>>, vector<1x64x128xf32>,
    %get3A_62 = arith.constant 256 : index
    %get3A_63 = arith.constant 0 : index
    %get3A_64 = vector.load %arg2[%get3A_62, %get3A_63] : memref<512x128xf32, #tpu.memory_space<vmem>>, vector<64x128xf32>
    %slice3A_65 = vector.extract_strided_slice %get3A_64 {offsets = [0, 0], sizes = [64, 64], strides = [1, 1]} : vector<64x128xf32> to vector<64x64xf32>
    %dot_general3A_66 = arith.constant dense<0.000000e+00> : vector<64x64xf32>
    %dot_general3A_67 = tpu.matmul %slice3A_65, %get3A_1, %dot_general3A_66 {dimension_numbers = #tpu.dot_dimension_numbers<[0], [0], [1], [1], [0, 1, 1, 1], [], []>, transpose_lhs_hint = false} : vector<64x64xf32>, vector<64x64xf32>, vector<64x64xf32> -> vector<64x64xf32>
    %slice3A_68 = vector.extract_strided_slice %get3A_64 {offsets = [0, 64], sizes = [64, 64], strides = [1, 1]} : vector<64x128xf32> to vector<64x64xf32>
    %dot_general3A_69 = arith.constant dense<0.000000e+00> : vector<64x64xf32>
    %dot_general3A_70 = tpu.matmul %slice3A_68, %get3A_1, %dot_general3A_69 {dimension_numbers = #tpu.dot_dimension_numbers<[0], [0], [1], [1], [0, 1, 1, 1], [], []>, transpose_lhs_hint = false} : vector<64x64xf32>, vector<64x64xf32>, vector<64x64xf32> -> vector<64x64xf32>
    %concatenate3A_71 = tpu.concatenate %dot_general3A_67, %dot_general3A_70 in 1 : vector<64x64xf32>, vector<64x64xf32> -> vector<64x128xf32>
    %swap3A_72 = arith.constant 0 : index
    %swap3A_73 = arith.constant 0 : index
    %swap3A_74 = arith.constant 512 : index
    %swap3A_75 = vector.load %arg4[%swap3A_72, %swap3A_73, %swap3A_74] : memref<1x64x1024xf32, #tpu.memory_space<vmem>>, vector<1x64x128xf32>
    %swap3A_76 = vector.shape_cast %swap3A_75 : vector<1x64x128xf32> to vector<64x128xf32>
    %swap3A_77 = vector.shape_cast %concatenate3A_71 : vector<64x128xf32> to vector<1x64x128xf32>
    tpu.vector_store %arg4[%swap3A_72, %swap3A_73, %swap3A_74], %swap3A_77 {strides = array<i32>} : memref<1x64x1024xf32, #tpu.memory_space<vmem>>, vector<1x64x128xf32>,
    %get3A_78 = arith.constant 320 : index
    %get3A_79 = arith.constant 0 : index
    %get3A_80 = vector.load %arg2[%get3A_78, %get3A_79] : memref<512x128xf32, #tpu.memory_space<vmem>>, vector<64x128xf32>
    %slice3A_81 = vector.extract_strided_slice %get3A_80 {offsets = [0, 0], sizes = [64, 64], strides = [1, 1]} : vector<64x128xf32> to vector<64x64xf32>
    %dot_general3A_82 = arith.constant dense<0.000000e+00> : vector<64x64xf32>
    %dot_general3A_83 = tpu.matmul %slice3A_81, %get3A_1, %dot_general3A_82 {dimension_numbers = #tpu.dot_dimension_numbers<[0], [0], [1], [1], [0, 1, 1, 1], [], []>, transpose_lhs_hint = false} : vector<64x64xf32>, vector<64x64xf32>, vector<64x64xf32> -> vector<64x64xf32>
    %slice3A_84 = vector.extract_strided_slice %get3A_80 {offsets = [0, 64], sizes = [64, 64], strides = [1, 1]} : vector<64x128xf32> to vector<64x64xf32>
    %dot_general3A_85 = arith.constant dense<0.000000e+00> : vector<64x64xf32>
    %dot_general3A_86 = tpu.matmul %slice3A_84, %get3A_1, %dot_general3A_85 {dimension_numbers = #tpu.dot_dimension_numbers<[0], [0], [1], [1], [0, 1, 1, 1], [], []>, transpose_lhs_hint = false} : vector<64x64xf32>, vector<64x64xf32>, vector<64x64xf32> -> vector<64x64xf32>
    %concatenate3A_87 = tpu.concatenate %dot_general3A_83, %dot_general3A_86 in 1 : vector<64x64xf32>, vector<64x64xf32> -> vector<64x128xf32>
    %swap3A_88 = arith.constant 0 : index
    %swap3A_89 = arith.constant 0 : index
    %swap3A_90 = arith.constant 640 : index
    %swap3A_91 = vector.load %arg4[%swap3A_88, %swap3A_89, %swap3A_90] : memref<1x64x1024xf32, #tpu.memory_space<vmem>>, vector<1x64x128xf32>
    %swap3A_92 = vector.shape_cast %swap3A_91 : vector<1x64x128xf32> to vector<64x128xf32>
    %swap3A_93 = vector.shape_cast %concatenate3A_87 : vector<64x128xf32> to vector<1x64x128xf32>
    tpu.vector_store %arg4[%swap3A_88, %swap3A_89, %swap3A_90], %swap3A_93 {strides = array<i32>} : memref<1x64x1024xf32, #tpu.memory_space<vmem>>, vector<1x64x128xf32>,
    %get3A_94 = arith.constant 384 : index
    %get3A_95 = arith.constant 0 : index
    %get3A_96 = vector.load %arg2[%get3A_94, %get3A_95] : memref<512x128xf32, #tpu.memory_space<vmem>>, vector<64x128xf32>
    %slice3A_97 = vector.extract_strided_slice %get3A_96 {offsets = [0, 0], sizes = [64, 64], strides = [1, 1]} : vector<64x128xf32> to vector<64x64xf32>
    %dot_general3A_98 = arith.constant dense<0.000000e+00> : vector<64x64xf32>
    %dot_general3A_99 = tpu.matmul %slice3A_97, %get3A_1, %dot_general3A_98 {dimension_numbers = #tpu.dot_dimension_numbers<[0], [0], [1], [1], [0, 1, 1, 1], [], []>, transpose_lhs_hint = false} : vector<64x64xf32>, vector<64x64xf32>, vector<64x64xf32> -> vector<64x64xf32>
    %slice3A_100 = vector.extract_strided_slice %get3A_96 {offsets = [0, 64], sizes = [64, 64], strides = [1, 1]} : vector<64x128xf32> to vector<64x64xf32>
    %dot_general3A_101 = arith.constant dense<0.000000e+00> : vector<64x64xf32>
    %dot_general3A_102 = tpu.matmul %slice3A_100, %get3A_1, %dot_general3A_101 {dimension_numbers = #tpu.dot_dimension_numbers<[0], [0], [1], [1], [0, 1, 1, 1], [], []>, transpose_lhs_hint = false} : vector<64x64xf32>, vector<64x64xf32>, vector<64x64xf32> -> vector<64x64xf32>
    %concatenate3A_103 = tpu.concatenate %dot_general3A_99, %dot_general3A_102 in 1 : vector<64x64xf32>, vector<64x64xf32> -> vector<64x128xf32>
    %swap3A_104 = arith.constant 0 : index
    %swap3A_105 = arith.constant 0 : index
    %swap3A_106 = arith.constant 768 : index
    %swap3A_107 = vector.load %arg4[%swap3A_104, %swap3A_105, %swap3A_106] : memref<1x64x1024xf32, #tpu.memory_space<vmem>>, vector<1x64x128xf32>
    %swap3A_108 = vector.shape_cast %swap3A_107 : vector<1x64x128xf32> to vector<64x128xf32>
    %swap3A_109 = vector.shape_cast %concatenate3A_103 : vector<64x128xf32> to vector<1x64x128xf32>
    tpu.vector_store %arg4[%swap3A_104, %swap3A_105, %swap3A_106], %swap3A_109 {strides = array<i32>} : memref<1x64x1024xf32, #tpu.memory_space<vmem>>, vector<1x64x128xf32>,
    %get3A_110 = arith.constant 448 : index
    %get3A_111 = arith.constant 0 : index
    %get3A_112 = vector.load %arg2[%get3A_110, %get3A_111] : memref<512x128xf32, #tpu.memory_space<vmem>>, vector<64x128xf32>
    %slice3A_113 = vector.extract_strided_slice %get3A_112 {offsets = [0, 0], sizes = [64, 64], strides = [1, 1]} : vector<64x128xf32> to vector<64x64xf32>
    %dot_general3A_114 = arith.constant dense<0.000000e+00> : vector<64x64xf32>
    %dot_general3A_115 = tpu.matmul %slice3A_113, %get3A_1, %dot_general3A_114 {dimension_numbers = #tpu.dot_dimension_numbers<[0], [0], [1], [1], [0, 1, 1, 1], [], []>, transpose_lhs_hint = false} : vector<64x64xf32>, vector<64x64xf32>, vector<64x64xf32> -> vector<64x64xf32>
    %slice3A_116 = vector.extract_strided_slice %get3A_112 {offsets = [0, 64], sizes = [64, 64], strides = [1, 1]} : vector<64x128xf32> to vector<64x64xf32>
    %dot_general3A_117 = arith.constant dense<0.000000e+00> : vector<64x64xf32>
    %dot_general3A_118 = tpu.matmul %slice3A_116, %get3A_1, %dot_general3A_117 {dimension_numbers = #tpu.dot_dimension_numbers<[0], [0], [1], [1], [0, 1, 1, 1], [], []>, transpose_lhs_hint = false} : vector<64x64xf32>, vector<64x64xf32>, vector<64x64xf32> -> vector<64x64xf32>
    %concatenate3A_119 = tpu.concatenate %dot_general3A_115, %dot_general3A_118 in 1 : vector<64x64xf32>, vector<64x64xf32> -> vector<64x128xf32>
    %swap3A_120 = arith.constant 0 : index
    %swap3A_121 = arith.constant 0 : index
    %swap3A_122 = arith.constant 896 : index
    %swap3A_123 = vector.load %arg4[%swap3A_120, %swap3A_121, %swap3A_122] : memref<1x64x1024xf32, #tpu.memory_space<vmem>>, vector<1x64x128xf32>
    %swap3A_124 = vector.shape_cast %swap3A_123 : vector<1x64x128xf32> to vector<64x128xf32>
    %swap3A_125 = vector.shape_cast %concatenate3A_119 : vector<64x128xf32> to vector<1x64x128xf32>
    tpu.vector_store %arg4[%swap3A_120, %swap3A_121, %swap3A_122], %swap3A_125 {strides = array<i32>} : memref<1x64x1024xf32, #tpu.memory_space<vmem>>, vector<1x64x128xf32>,
    return
  }
  func.func @transform_0(%arg0: i32, %arg1: i32) -> (i32, i32) {
    %mul3A = arith.constant 4 : i32
    %mul3A_0 = arith.muli %arg0, %mul3A : i32
    %add3A = arith.addi %mul3A_0, %arg1 : i32
    %c0_i32 = arith.constant 0 : i32
    %c0_i32_1 = arith.constant 0 : i32
    return %add3A, %c0_i32 : i32, i32
  }
  func.func @transform_1(%arg0: i32, %arg1: i32) -> (i32, i32) {
    %c0_i32 = arith.constant 0 : i32
    %c0_i32_0 = arith.constant 0 : i32
    %c0_i32_1 = arith.constant 0 : i32
    return %c0_i32, %c0_i32_0 : i32, i32
  }
  func.func @transform_2(%arg0: i32, %arg1: i32) -> (i32, i32, i32) {
    %c0_i32 = arith.constant 0 : i32
    %c0_i32_0 = arith.constant 0 : i32
    return %arg0, %c0_i32, %arg1 : i32, i32, i32
  }
}

</mosaic_0001>

<sc_bundles>
// kernel: kernel.5.cloned.1.call-start
scs
__scs_entry_jumppad:
0x0: {  	(pc) =	sbr.rel $0x88, $3  }
0x1: {  	(tag) =	ssettag $0x0;
	lr =	simm.s32 $0x1  }
0x2: {  	[smem:$0x3F9F] =	sst lr;
	_ =	strace $0xD0000000  }
0x3: {  	_ = 	snop  }
0x4: {  	_ = 	snop  }
0x5: {  	_ = 	snop  }
0x6: {  	_ = 	snop  }
0x7: {  	_ = 	snop  }
__scs_overlays_trampoline_lowered:
0x8: {  	[smem:$0x3FAE] =	sst s0  }
0x9: {  	[smem:$0x3FAF] =	sst s1  }
0xa: {  	[smem:$0x3FB0] =	sst s2  }
0xb: {  	[smem:$0x3FB1] =	sst s3  }
0xc: {  	[smem:$0x3FB2] =	sst s4  }
0xd: {  	[smem:$0x3FB3] =	sst s5  }
0xe: {  	[smem:$0x3FB4] =	sst s6  }
0xf: {  	[smem:$0x3FB5] =	sst s7  }
0x10: {  	[smem:$0x3FB6] =	sst s8  }
0x11: {  	[smem:$0x3FB7] =	sst s9;
	s0 =	simm.s32 @!p0 $0x0  }
0x12: {  	s1 =	sld [smem:$0x3F9D];
	s0 =	simm.s32 @p0 $0x1  }
0x13: {  	[smem:$0x3FB8] =	sst s0;
	s0 =	simm.s32 @!p1 $0x0  }
0x14: {  	s2 =	sld [smem:$0x3F9C];
	s0 =	simm.s32 @p1 $0x1  }
0x15: {  	[smem:$0x3FB9] =	sst s0;
	s0 =	simm.s32 @!p2 $0x0  }
0x16: {  	s3 =	sld [smem:$0x3FDB];
	s0 =	simm.s32 @p2 $0x1  }
0x17: {  	s4 =	simm.s32 $0x1BF5;
	[smem:$0x3FBB] =	sst s0  }
0x18: {  	s0 =	sld [smem:$0x3F9E];
	_ =	swait.ge [sflag:s4], $0x0  }
0x19: {  	s7 =	sld [smem:$0x3F9F]  }
0x1a: {  	s8 =	sadd.s32 $0xFFFFE003, lr  }
0x1b: {  	s9 =	sadd.s32 $0xFFFFFEF7, lr;
	s5 =	simm.s32 $0xFFFFFFFF;
	p2 =	slt.u32 s8, $0xFFFFF086  }
0x1c: {  	p1 =	slt.u32 s9, $0xF7A;
	s5 =	simm.s32 @!p2 $0x0  }
0x1d: {  	s5 =	simm.s32 @p1 $0x1;
	p0 =	seq.s32 s7, s2  }
0x1e: {  	s7 =	smul.u32 @!p0 $0xF7A, s2;
	p2 =	seq.s32 @!p0 s5, $0x0  }
0x1f: {  	s9 =	smul.u32 $0xF7A, s1;
	s8 =	simm.s32 @!p0 $0x1BF5;
	p2 =	por !p2, p0  }
0x20: {  	[sflag:s8] =	ssyncset.s32 @!p0 $0xFFFFF086;
	s6 =	sadd.s32 @!p0 s3, s7;
	s7 =	simm.s32 @!p0 $0x108  }
0x21: {  	s3 =	sadd.s32 s3, s9;
	s6 =	sadd.s32 @!p0 $0x88, s6;
	s7 =	simm.s32 @p2 $0x1082  }
0x22: {  	[simem:s7], [sflag:s8] =	dma.local @!p0 [hbm:s6], $0xF7A  }
0x23: {  	s9 =	sor.u32 $0xD0000000, s2;
	s6 =	simm.s32 $0x108;
	_ =	swait.ge @!p0 [sflag:s8], $0x0  }
0x24: {  	s3 =	sadd.s32 $0x88, s3;
	s6 =	simm.s32 @!p1 $0x1082;
	[sflag:s4] =	ssyncset.s32 $0xFFFFF086  }
0x25: {  	[simem:s6], [sflag:s4] =	dma.local [hbm:s3], $0xF7A  }
0x26: {  	[smem:$0x3F9F] =	sst s1;
	(tag) =	ssettag s2;
	_ =	strace s9  }
0x27: {  	s1 =	sld [smem:$0x3FAF]  }
0x28: {  	s2 =	sld [smem:$0x3FB0]  }
0x29: {  	s4 =	sld [smem:$0x3FB2]  }
0x2a: {  	p0 =	seq.s32 s5, $0x0;
	s5 =	sld [smem:$0x3FB3]  }
0x2b: {  	s6 =	sld [smem:$0x3FB4]  }
0x2c: {  	s7 =	sld [smem:$0x3FB5]  }
0x2d: {  	s3 =	simm.s32 $0x108;
	s8 =	sld [smem:$0x3FB6]  }
0x2e: {  	s3 =	simm.s32 @!p0 $0x1082;
	s9 =	sld [smem:$0x3FB7]  }
0x2f: {  	lr =	sadd.s32 s0, s3;
	s0 =	sld [smem:$0x3FAE]  }
0x30: {  	s3 =	sld [smem:$0x3FB1]  }
0x31: {  	[smem:$0x3FBA] =	sst s10  }
0x32: {  	s10 =	sld [smem:$0x3FB8];
	_ =	sdelay $0x3  }
0x33: {  	p0 =	seq.s32 s10, $0x1;
	s10 =	sld [smem:$0x3FBA];
	_ =	sdelay $0x3  }
0x34: {  	[smem:$0x3FBA] =	sst s10  }
0x35: {  	s10 =	sld [smem:$0x3FB9];
	_ =	sdelay $0x3  }
0x36: {  	p1 =	seq.s32 s10, $0x1;
	s10 =	sld [smem:$0x3FBA];
	_ =	sdelay $0x3  }
0x37: {  	[smem:$0x3FBA] =	sst s10  }
0x38: {  	s10 =	sld [smem:$0x3FBB]  }
0x39: {  	_ = 	snop;
	(pc) =	sbr.ind lr, $3  }
0x3a: {  	_ = 	snop  }
0x3b: {  	_ = 	snop  }
0x3c: {  	p2 =	seq.s32 s10, $0x1;
	s10 =	sld [smem:$0x3FBA]  }
0x3d: {  	_ =	shalt  }
0x3e: {  	_ =	shalt  }
0x3f: {  	_ =	shalt  }
0x40: {  	_ =	shalt  }
0x41: {  	_ =	shalt  }
0x42: {  	_ =	shalt  }
0x43: {  	_ =	shalt  }
0x44: {  	_ =	shalt  }
0x45: {  	_ =	shalt  }
0x46: {  	_ =	shalt  }
0x47: {  	_ =	shalt  }
0x48: {  	_ =	shalt  }
0x49: {  	_ =	shalt  }
0x4a: {  	_ =	shalt  }
0x4b: {  	_ =	shalt  }
0x4c: {  	_ =	shalt  }
0x4d: {  	_ =	shalt  }
0x4e: {  	_ =	shalt  }
0x4f: {  	_ =	shalt  }
0x50: {  	_ =	shalt  }
0x51: {  	_ =	shalt  }
0x52: {  	_ =	shalt  }
0x53: {  	_ =	shalt  }
0x54: {  	_ =	shalt  }
0x55: {  	_ =	shalt  }
0x56: {  	_ =	shalt  }
0x57: {  	_ =	shalt  }
0x58: {  	_ =	shalt  }
0x59: {  	_ =	shalt  }
0x5a: {  	_ =	shalt  }
0x5b: {  	_ =	shalt  }
0x5c: {  	_ =	shalt  }
0x5d: {  	_ =	shalt  }
0x5e: {  	_ =	shalt  }
0x5f: {  	_ =	shalt  }
0x60: {  	_ =	shalt  }
0x61: {  	_ =	shalt  }
0x62: {  	_ =	shalt  }
0x63: {  	_ =	shalt  }
0x64: {  	_ =	shalt  }
0x65: {  	_ =	shalt  }
0x66: {  	_ =	shalt  }
0x67: {  	_ =	shalt  }
0x68: {  	_ =	shalt  }
0x69: {  	_ =	shalt  }
0x6a: {  	_ =	shalt  }
0x6b: {  	_ =	shalt  }
0x6c: {  	_ =	shalt  }
0x6d: {  	_ =	shalt  }
0x6e: {  	_ =	shalt  }
0x6f: {  	_ =	shalt  }
0x70: {  	_ =	shalt  }
0x71: {  	_ =	shalt  }
0x72: {  	_ =	shalt  }
0x73: {  	_ =	shalt  }
0x74: {  	_ =	shalt  }
0x75: {  	_ =	shalt  }
0x76: {  	_ =	shalt  }
0x77: {  	_ =	shalt  }
0x78: {  	_ =	shalt  }
0x79: {  	_ =	shalt  }
0x7a: {  	_ =	shalt  }
0x7b: {  	_ =	shalt  }
0x7c: {  	_ =	shalt  }
0x7d: {  	_ =	shalt  }
0x7e: {  	_ =	shalt  }
0x7f: {  	_ =	shalt  }
0x80: {  	_ =	shalt  }
0x81: {  	_ =	shalt  }
0x82: {  	_ =	shalt  }
0x83: {  	_ =	shalt  }
0x84: {  	_ =	shalt  }
0x85: {  	_ =	shalt  }
0x86: {  	_ =	shalt  }
0x87: {  	_ =	shalt  }
.Lfunc_end0:
.L_simem_size_0:
called_computation_lowered:
.L_overlay_start_0:
0x88: {  	s2 =	sld [smem:$0x3FD9]  }
0x89: {  	s3 =	sld [smem:$0x3FFE];
	_ =	sdelay $0x1  }
0x8a: {  	s1 =	srdreg.scid  }
0x8b: {  	s0 =	sand.u32 $0x1, s1  }
0x8c: {  	s17 =	sshll.u32 s0, $0xA;
	s2 =	sadd.s32 s3, s2  }
0x8d: {  	s2 =	sadd.s32 s2, s17  }
0x8e: {  	[smem:$0x3FC6] =	sst s2  }
0x8f: {  	_ = 	snop  }
0x90: {  	s2 =	sld [smem:$0x3FD0];
	(tm) =	ssettm $0x1  }
0x91: {  	s18 =	sld [smem:$0x3FFB];
	_ =	sdelay $0x3  }
0x92: {  	_ =	strace s18  }
0x93: {  	s3 =	sld [smem:$0x3FFC];
	_ =	sdelay $0x3  }
0x94: {  	_ =	strace s3  }
0x95: {  	s3 =	sld [smem:$0x3FFD];
	_ =	sdelay $0x3  }
0x96: {  	_ =	strace s3  }
0x97: {  	_ =	strace $0x8FFFFFFF  }
0x98: {  	s19 =	sld [smem:$0x3FDB];
	_ =	sdelay $0x1  }
0x99: {  	s4 =	simm.s32 $_scs_section_size  }
0x9a: {  	s5 =	simm.s32 $_size__tile_overlayer_lowered;
	s6 =	simm.s32 $_tile_overlayer_lowered  }
0x9b: {  	s22 =	simm.s32 $0x1BFF;
	s21 =	sshll.u32 s6, $0x1;
	s3 =	sadd.s32 s4, s19  }
0x9c: {  	s7 =	simm.s32 $0x0;
	s20 =	sshll.u32 s5, $0x1;
	s5 =	sadd.s32 s21, s3  }
0x9d: {  	[timem:s7], [sflag:s22] =	dma.local [hbm:s5], s20  }
0x9e: {  	_ =	swait.ge [sflag:s22], s20  }
0x9f: {  	s4 =	ssub.s32 $0x0, s20;
	[sflag:s22] =	ssyncset.done $0x0  }
0xa0: {  	[sflag:s22] =	ssyncadd.s32 s4;
	_ =	sdelay $0x1  }
0xa1: {  	s23 =	simm.s32 $0x1B8B  }
0xa2: {  	_ =	swait.ge [sflag:s23], $0x1  }
0xa3: {  	[sflag:s23] =	ssyncset.done $0x0  }
0xa4: {  	s25 =	simm.s32 $0x1B8E;
	s24 =	sld [smem:$0x3FFE];
	[sflag:s23] =	ssyncadd.s32 $0xFFFFFFFF  }
0xa5: {  	s26 =	simm.s32 $execute0_lowered;
	[smem:$0x3FD2] =	sst s25  }
0xa6: {  	s5 =	sshll.u32 s26, $0x1;
	_ =	strace $0x80000046;
	[dreg:$0x1] =	wrdreg $0xFFFFFFFF  }
0xa7: {  	s28 =	simm.s32 $_size_execute0_lowered;
	s3 =	sadd.s32 s3, s5;
	[dreg:$0x0] =	wrdreg $0x0  }
0xa8: {  	s5 =	sshll.u32 s28, $0x1;
	[dreg:$0x2] =	wrdreg s3  }
0xa9: {  	[dreg:$0x3] =	wrdreg s5  }
0xaa: {  	[dreg:$0x4] =	wrdreg $0xC0  }
0xab: {  	_ =	task [dreg:s7], $0x5FFFF  }
0xac: {  	[dreg:$0x1] =	wrdreg $0xFFFFFFFF  }
0xad: {  	[dreg:$0x0] =	wrdreg $0x60  }
0xae: {  	[dreg:$0x2] =	wrdreg s2  }
0xaf: {  	[dreg:$0x3] =	wrdreg s24  }
0xb0: {  	[dreg:$0x4] =	wrdreg $0x9  }
0xb1: {  	_ =	task.clear_ibuf [dreg:s7], $0x5FFFF;
	_ =	strace $0x90000046  }
0xb2: {  	s29 =	simm.s32 $0x9;
	_ =	strace $0x80000048  }
0xb3: {  	_ =	swait.ge [sflag:s29], $0x1  }
0xb4: {  	[sflag:s29] =	ssyncadd.s32 $0xFFFFFFFF  }
0xb5: {  	_ =	strace $0x90000048  }
0xb6: {  	_ =	sfence  }
0xb7: {  	s30 =	sld [smem:$0x0];
	_ =	sdelay $0x2  }
0xb8: {  	s31 =	sshll.u32 s1, $0xD;
	s1 =	sshrl.u32 s1, $0x2  }
0xb9: {  	s3 =	sand.u32 $0x4000, s31;
	s1 =	sadd.s32 s1, s30  }
0xba: {  	s0 =	sor.u32 s3, s0;
	s1 =	sshll.u32 s1, $0x11  }
0xbb: {  	s0 =	sor.u32 s1, s0  }
0xbc: {  	s0 =	sadd.s32 $0x8F2B, s0  }
0xbd: {  	[sflag:s0] =	ssyncadd.remote.s32 $0x1  }
0xbe: {  	_ =	sfence.sel $0xFFFF  }
0xbf: {  	[dreg:$0x0] =	wrdreg $0xFFFFFFFF;
	(pc) =	sbr.abs _section_cstart, $3  }
0xc0: {  	[dreg:$0x1] =	wrdreg $0xFFFFFFFF  }
0xc1: {  	_ =	task.clear_ibuf [dreg:s7], $0x2FFFF;
	_ =	strace $0x9FFFFFFF  }
0xc2: {  	(tm) =	ssettm $0x7FFFFFFF  }
0xc3: {  	_ =	shalt  }
tec
execute0_lowered:
.L_overlay_start_1:
0x0: {  	(tag) =	ssettag $0x1  }
0x1: {  	s0 =	rddreg [dreg:$0x0]  }
0x2: {  	s1 =	rddreg [dreg:$0x1];
	s2 =	simm.s32 $0x0;
	s7 =	stileid.u32  }
0x3: {  	s3 =	srdreg.scid;
	s9 =	simm.s32 $0x6400;
	s10 =	simm.s32 $0x8400  }
0x4: {  	s12 =	simm.s32 $0xA400;
	s14 =	simm.s32 $0xC400;
	s15 =	simm.s32 $0x1  }
0x5: {  	s16 =	simm.s32 $0xE400;
	s17 =	simm.s32 $0x2;
	s18 =	simm.s32 $0x10400  }
0x6: {  	s19 =	simm.s32 $0x3;
	s20 =	simm.s32 $0x12400;
	s21 =	simm.s32 $0x4  }
0x7: {  	s22 =	simm.s32 $0x14400;
	s23 =	simm.s32 $0x5;
	s24 =	simm.s32 $0x9  }
0x8: {  	s28 =	simm.s32 $0x7;
	s29 =	simm.s32 $0xB;
	s30 =	simm.s32 $0x8  }
0x9: {  	s31 =	simm.s32 $0xC;
	[smem:$0x7FF] =	sst s2;
	s4 =	sand.u32 $0x1, s3  }
0xa: {  	s5 =	sshll.u32 s7, $0x1;
	s3 =	sadd.s32 $0xC00, s1;
	s7 =	sshll.u32 s7, $0xB  }
0xb: {  	_ =	strace $0x80000047;
	s6 =	ssub.s32 $0x2, s4;
	s5 =	sor.u32 s4, s5  }
0xc: {  	s1 =	sadd.s32 s7, s1;
	s4 =	sshll.u32 s4, $0xA;
	s5 =	smul.u32 $0xC80, s5  }
0xd: {  	s8 =	sshrl.u32 s6, $0x1;
	s26 =	sadd.s32 s4, s1;
	s4 =	simm.s32 $0x0  }
0xe: {  	s6 =	ssub.s32 s6, s8;
	s8 =	simm.s32 $0x80;
	s0 =	sadd.s32 s0, s5  }
0xf: {  	s25 =	smax.u32 s6, $0x1;
	s6 =	sadd.s32 $0x7A8C00, s26;
	[dreg:$0x3] =	wrdreg s0  }
0x10: {  	s26 =	simm.s32 $0xA;
	[dreg:$0x4] =	wrdreg s25;
	s25 =	simm.s32 $0x6  }
.LBB2_1:
0x11: {  	[dreg:$0x5] =	wrdreg s4  }
0x12: {  	s0 =	rddreg [dreg:$0x3];
	s11 =	simm.s32 $0x11  }
0x13: {  	[tilespmem:s2], [sflag:$0x11] =	stream.linear.gather [hbm4b:s0+s2], $0x6400, $0x38;
	[tilespmem:$0x16400] =	vst v63  }
0x14: {  	_ =	swait.ge [sflag:s11], $0x6400  }
0x15: {  	[sflag:s11] =	ssyncset.done $0x0  }
0x16: {  	[sflag:s11] =	ssyncadd.s32 $0xFFFF9C00  }
0x17: {  	[tilespmem:s9], [sflag:$0x1] =	stream.indirect.gather [hbm4b:s3+s8], $0x40, s2, s8, $0xb8;
	[tilespmem:$0x16400] =	vst v63  }
0x18: {  	_ = 	snop  }
0x19: {  	[tilespmem:s10], [sflag:$0x2] =	stream.indirect.gather [hbm4b:s3+s8], $0x40, s8, s8, $0xb8;
	[tilespmem:$0x16400] =	vst v63  }
0x1a: {  	s13 =	simm.s32 $0x100  }
0x1b: {  	[tilespmem:s12], [sflag:$0x3] =	stream.indirect.gather [hbm4b:s3+s8], $0x40, s13, s8, $0xb8;
	[tilespmem:$0x16400] =	vst v63  }
0x1c: {  	s1 =	simm.s32 $0x180  }
0x1d: {  	[tilespmem:s14], [sflag:$0x4] =	stream.indirect.gather [hbm4b:s3+s8], $0x40, s1, s8, $0xb8;
	[tilespmem:$0x16400] =	vst v63  }
0x1e: {  	_ =	swait.ge [sflag:s15], $0x2000  }
0x1f: {  	p0 =	por $0x1, $0x1;
	[sflag:s15] =	ssyncset.done $0x0  }
0x20: {  	s0 =	simm.s32 @!p0 $0xD;
	[sflag:s15] =	ssyncadd.s32 $0xFFFFE000  }
0x21: {  	_ =	swait.ge @!p0 [sflag:s0], $0x2000  }
0x22: {  	[sflag:s0] =	ssyncset.done @!p0 $0x0  }
0x23: {  	s4 =	simm.s32 $0x200;
	[sflag:s0] =	ssyncadd.s32 @!p0 $0xFFFFE000  }
0x24: {  	[tilespmem:s16], [sflag:$0x5] =	stream.indirect.gather [hbm4b:s3+s8], $0x40, s4, s8, $0xb8;
	[tilespmem:$0x16400] =	vst v63  }
0x25: {  	_ = 	snop  }
0x26: {  	[hbm4b:s6+s2] =	stream.linear.scatter [tilespmem:s9], [sflag:$0x9], $0x2000, $0x38;
	[tilespmem:$0x16400] =	vst v63  }
0x27: {  	_ =	swait.ge [sflag:s17], $0x2000  }
0x28: {  	[sflag:s17] =	ssyncset.done $0x0  }
0x29: {  	s0 =	simm.s32 @!p0 $0xE;
	[sflag:s17] =	ssyncadd.s32 $0xFFFFE000  }
0x2a: {  	_ =	swait.ge @!p0 [sflag:s0], $0x2000  }
0x2b: {  	[sflag:s0] =	ssyncset.done @!p0 $0x0  }
0x2c: {  	s5 =	simm.s32 $0x280;
	[sflag:s0] =	ssyncadd.s32 @!p0 $0xFFFFE000  }
0x2d: {  	[tilespmem:s18], [sflag:$0x6] =	stream.indirect.gather [hbm4b:s3+s8], $0x40, s5, s8, $0xb8;
	[tilespmem:$0x16400] =	vst v63  }
0x2e: {  	s7 =	sadd.s32 $0x8000, s6  }
0x2f: {  	[hbm4b:s7+s2] =	stream.linear.scatter [tilespmem:s10], [sflag:$0xA], $0x2000, $0x38;
	[tilespmem:$0x16400] =	vst v63  }
0x30: {  	_ =	swait.ge [sflag:s19], $0x2000  }
0x31: {  	[sflag:s19] =	ssyncset.done $0x0  }
0x32: {  	s0 =	simm.s32 @!p0 $0xF;
	[sflag:s19] =	ssyncadd.s32 $0xFFFFE000  }
0x33: {  	_ =	swait.ge @!p0 [sflag:s0], $0x2000  }
0x34: {  	[sflag:s0] =	ssyncset.done @!p0 $0x0  }
0x35: {  	s11 =	simm.s32 $0x300;
	[sflag:s0] =	ssyncadd.s32 @!p0 $0xFFFFE000  }
0x36: {  	[tilespmem:s20], [sflag:$0x7] =	stream.indirect.gather [hbm4b:s3+s8], $0x40, s11, s8, $0xb8;
	[tilespmem:$0x16400] =	vst v63  }
0x37: {  	s13 =	sadd.s32 $0x10000, s6  }
0x38: {  	[hbm4b:s13+s2] =	stream.linear.scatter [tilespmem:s12], [sflag:$0xB], $0x2000, $0x38;
	[tilespmem:$0x16400] =	vst v63  }
0x39: {  	_ =	swait.ge [sflag:s21], $0x2000  }
0x3a: {  	[sflag:s21] =	ssyncset.done $0x0  }
0x3b: {  	s0 =	simm.s32 @!p0 $0x10;
	[sflag:s21] =	ssyncadd.s32 $0xFFFFE000  }
0x3c: {  	_ =	swait.ge @!p0 [sflag:s0], $0x2000  }
0x3d: {  	[sflag:s0] =	ssyncset.done @!p0 $0x0  }
0x3e: {  	s1 =	simm.s32 $0x380;
	[sflag:s0] =	ssyncadd.s32 @!p0 $0xFFFFE000  }
0x3f: {  	[tilespmem:s22], [sflag:$0x8] =	stream.indirect.gather [hbm4b:s3+s8], $0x40, s1, s8, $0xb8;
	[tilespmem:$0x16400] =	vst v63  }
0x40: {  	s4 =	sadd.s32 $0x18000, s6  }
0x41: {  	[hbm4b:s4+s2] =	stream.linear.scatter [tilespmem:s14], [sflag:$0xC], $0x2000, $0x38;
	[tilespmem:$0x16400] =	vst v63  }
0x42: {  	_ =	swait.ge [sflag:s23], $0x2000  }
0x43: {  	[sflag:s23] =	ssyncset.done $0x0  }
0x44: {  	[sflag:s23] =	ssyncadd.s32 $0xFFFFE000  }
0x45: {  	p0 =	por $0x0, $0x0;
	_ =	swait.ge [sflag:s24], $0x2000  }
0x46: {  	s0 =	simm.s32 @!p0 $0x6400;
	[sflag:s24] =	ssyncset.done $0x0  }
0x47: {  	s5 =	simm.s32 @!p0 $0x400;
	s7 =	simm.s32 @!p0 $0x80;
	[sflag:s24] =	ssyncadd.s32 $0xFFFFE000  }
0x48: {  	[tilespmem:s0], [sflag:$0x1] =	stream.indirect.gather @!p0 [hbm4b:s3+s7], $0x40, s5, s7, $0xb8;
	[tilespmem:$0x16400] =	vst v63  }
0x49: {  	s5 =	sadd.s32 $0x20000, s6  }
0x4a: {  	[hbm4b:s5+s2] =	stream.linear.scatter [tilespmem:s16], [sflag:$0xD], $0x2000, $0x38;
	[tilespmem:$0x16400] =	vst v63  }
0x4b: {  	_ =	swait.ge [sflag:s25], $0x2000  }
0x4c: {  	[sflag:s25] =	ssyncset.done $0x0  }
0x4d: {  	[sflag:s25] =	ssyncadd.s32 $0xFFFFE000  }
0x4e: {  	_ =	swait.ge [sflag:s26], $0x2000  }
0x4f: {  	[sflag:s26] =	ssyncset.done $0x0  }
0x50: {  	s0 =	simm.s32 @!p0 $0x480;
	s5 =	simm.s32 @!p0 $0x8400;
	[sflag:s26] =	ssyncadd.s32 $0xFFFFE000  }
0x51: {  	[tilespmem:s5], [sflag:$0x2] =	stream.indirect.gather @!p0 [hbm4b:s3+s7], $0x40, s0, s7, $0xb8;
	[tilespmem:$0x16400] =	vst v63  }
0x52: {  	s11 =	sadd.s32 $0x28000, s6  }
0x53: {  	[hbm4b:s11+s2] =	stream.linear.scatter [tilespmem:s18], [sflag:$0xE], $0x2000, $0x38;
	[tilespmem:$0x16400] =	vst v63  }
0x54: {  	_ =	swait.ge [sflag:s28], $0x2000  }
0x55: {  	[sflag:s28] =	ssyncset.done $0x0  }
0x56: {  	[sflag:s28] =	ssyncadd.s32 $0xFFFFE000  }
0x57: {  	_ =	swait.ge [sflag:s29], $0x2000  }
0x58: {  	[sflag:s29] =	ssyncset.done $0x0  }
0x59: {  	s0 =	simm.s32 @!p0 $0x500;
	s5 =	simm.s32 @!p0 $0xA400;
	[sflag:s29] =	ssyncadd.s32 $0xFFFFE000  }
0x5a: {  	[tilespmem:s5], [sflag:$0x3] =	stream.indirect.gather @!p0 [hbm4b:s3+s7], $0x40, s0, s7, $0xb8;
	[tilespmem:$0x16400] =	vst v63  }
0x5b: {  	s13 =	sadd.s32 $0x30000, s6  }
0x5c: {  	[hbm4b:s13+s2] =	stream.linear.scatter [tilespmem:s20], [sflag:$0xF], $0x2000, $0x38;
	[tilespmem:$0x16400] =	vst v63  }
0x5d: {  	_ =	swait.ge [sflag:s30], $0x2000  }
0x5e: {  	[sflag:s30] =	ssyncset.done $0x0  }
0x5f: {  	[sflag:s30] =	ssyncadd.s32 $0xFFFFE000  }
0x60: {  	_ =	swait.ge [sflag:s31], $0x2000  }
0x61: {  	[sflag:s31] =	ssyncset.done $0x0  }
0x62: {  	s0 =	simm.s32 @!p0 $0x580;
	s5 =	simm.s32 @!p0 $0xC400;
	[sflag:s31] =	ssyncadd.s32 $0xFFFFE000  }
0x63: {  	[tilespmem:s5], [sflag:$0x4] =	stream.indirect.gather @!p0 [hbm4b:s3+s7], $0x40, s0, s7, $0xb8;
	[tilespmem:$0x16400] =	vst v63  }
0x64: {  	s5 =	simm.s32 $0x1000;
	s0 =	sadd.s32 $0x38000, s6;
	s7 =	sadd.s32 $0x40000, s6  }
.LBB2_2:
0x65: {  	[hbm4b:s0+s2] =	stream.linear.scatter [tilespmem:s22], [sflag:$0x10], $0x2000, $0x38;
	[tilespmem:$0x16400] =	vst v63  }
0x66: {  	s0 =	smov.u32 s5;
	s5 =	sadd.s32 $0x1000, s5;
	_ =	swait.ge [sflag:s15], $0x2000  }
0x67: {  	p1 =	seq.s32 s0, $0x0;
	p0 =	sne.s32 s5, $0x19000;
	[sflag:s15] =	ssyncset.done $0x0  }
0x68: {  	s1 =	simm.s32 @!p1 $0xD;
	[sflag:s15] =	ssyncadd.s32 $0xFFFFE000  }
0x69: {  	_ =	swait.ge @!p1 [sflag:s1], $0x2000  }
0x6a: {  	s11 =	sshra.s32 s0, $0x2;
	[sflag:s1] =	ssyncset.done @!p1 $0x0  }
0x6b: {  	[sflag:s1] =	ssyncadd.s32 @!p1 $0xFFFFE000;
	s1 =	sadd.s32 $0x200, s11  }
0x6c: {  	[tilespmem:s16], [sflag:$0x5] =	stream.indirect.gather [hbm4b:s3+s8], $0x40, s1, s8, $0xb8;
	[tilespmem:$0x16400] =	vst v63  }
0x6d: {  	_ = 	snop  }
0x6e: {  	[hbm4b:s7+s2] =	stream.linear.scatter [tilespmem:s9], [sflag:$0x9], $0x2000, $0x38;
	[tilespmem:$0x16400] =	vst v63  }
0x6f: {  	_ =	swait.ge [sflag:s17], $0x2000  }
0x70: {  	[sflag:s17] =	ssyncset.done $0x0  }
0x71: {  	s1 =	simm.s32 @!p1 $0xE;
	[sflag:s17] =	ssyncadd.s32 $0xFFFFE000  }
0x72: {  	_ =	swait.ge @!p1 [sflag:s1], $0x2000  }
0x73: {  	[sflag:s1] =	ssyncset.done @!p1 $0x0  }
0x74: {  	[sflag:s1] =	ssyncadd.s32 @!p1 $0xFFFFE000;
	s1 =	sadd.s32 $0x280, s11  }
0x75: {  	[tilespmem:s18], [sflag:$0x6] =	stream.indirect.gather [hbm4b:s3+s8], $0x40, s1, s8, $0xb8;
	[tilespmem:$0x16400] =	vst v63  }
0x76: {  	s1 =	sadd.s32 $0x8000, s7  }
0x77: {  	[hbm4b:s1+s2] =	stream.linear.scatter [tilespmem:s10], [sflag:$0xA], $0x2000, $0x38;
	[tilespmem:$0x16400] =	vst v63  }
0x78: {  	_ =	swait.ge [sflag:s19], $0x2000  }
0x79: {  	[sflag:s19] =	ssyncset.done $0x0  }
0x7a: {  	s1 =	simm.s32 @!p1 $0xF;
	[sflag:s19] =	ssyncadd.s32 $0xFFFFE000  }
0x7b: {  	_ =	swait.ge @!p1 [sflag:s1], $0x2000  }
0x7c: {  	[sflag:s1] =	ssyncset.done @!p1 $0x0  }
0x7d: {  	[sflag:s1] =	ssyncadd.s32 @!p1 $0xFFFFE000;
	s1 =	sadd.s32 $0x300, s11  }
0x7e: {  	[tilespmem:s20], [sflag:$0x7] =	stream.indirect.gather [hbm4b:s3+s8], $0x40, s1, s8, $0xb8;
	[tilespmem:$0x16400] =	vst v63  }
0x7f: {  	s1 =	sadd.s32 $0x10000, s7  }
0x80: {  	[hbm4b:s1+s2] =	stream.linear.scatter [tilespmem:s12], [sflag:$0xB], $0x2000, $0x38;
	[tilespmem:$0x16400] =	vst v63  }
0x81: {  	_ =	swait.ge [sflag:s21], $0x2000  }
0x82: {  	[sflag:s21] =	ssyncset.done $0x0  }
0x83: {  	s1 =	simm.s32 @!p1 $0x10;
	[sflag:s21] =	ssyncadd.s32 $0xFFFFE000  }
0x84: {  	_ =	swait.ge @!p1 [sflag:s1], $0x2000  }
0x85: {  	[sflag:s1] =	ssyncset.done @!p1 $0x0  }
0x86: {  	[sflag:s1] =	ssyncadd.s32 @!p1 $0xFFFFE000;
	s1 =	sadd.s32 $0x380, s11  }
0x87: {  	[tilespmem:s22], [sflag:$0x8] =	stream.indirect.gather [hbm4b:s3+s8], $0x40, s1, s8, $0xb8;
	[tilespmem:$0x16400] =	vst v63  }
0x88: {  	s1 =	sadd.s32 $0x18000, s7  }
0x89: {  	[hbm4b:s1+s2] =	stream.linear.scatter [tilespmem:s14], [sflag:$0xC], $0x2000, $0x38;
	[tilespmem:$0x16400] =	vst v63  }
0x8a: {  	_ =	swait.ge [sflag:s23], $0x2000  }
0x8b: {  	[sflag:s23] =	ssyncset.done $0x0  }
0x8c: {  	[sflag:s23] =	ssyncadd.s32 $0xFFFFE000  }
0x8d: {  	p1 =	seq.s32 s0, $0x18000;
	s1 =	sadd.s32 $0x20000, s7;
	_ =	swait.ge [sflag:s24], $0x2000  }
0x8e: {  	s0 =	sshra.s32 @!p1 s0, $0x2;
	s11 =	simm.s32 @!p1 $0x6400;
	[sflag:s24] =	ssyncset.done $0x0  }
0x8f: {  	s4 =	simm.s32 @!p1 $0x80;
	s13 =	sadd.s32 @!p1 $0x400, s0;
	[sflag:s24] =	ssyncadd.s32 $0xFFFFE000  }
0x90: {  	[tilespmem:s11], [sflag:$0x1] =	stream.indirect.gather @!p1 [hbm4b:s3+s4], $0x40, s13, s4, $0xb8;
	[tilespmem:$0x16400] =	vst v63  }
0x91: {  	s11 =	sadd.s32 @!p1 $0x480, s0;
	s13 =	sadd.s32 @!p1 $0x500, s0;
	s0 =	sadd.s32 @!p1 $0x580, s0  }
0x92: {  	[hbm4b:s1+s2] =	stream.linear.scatter [tilespmem:s16], [sflag:$0xD], $0x2000, $0x38;
	[tilespmem:$0x16400] =	vst v63  }
0x93: {  	_ =	swait.ge [sflag:s25], $0x2000  }
0x94: {  	[sflag:s25] =	ssyncset.done $0x0  }
0x95: {  	[sflag:s25] =	ssyncadd.s32 $0xFFFFE000  }
0x96: {  	_ =	swait.ge [sflag:s26], $0x2000  }
0x97: {  	[sflag:s26] =	ssyncset.done $0x0  }
0x98: {  	s1 =	simm.s32 @!p1 $0x8400;
	[sflag:s26] =	ssyncadd.s32 $0xFFFFE000  }
0x99: {  	[tilespmem:s1], [sflag:$0x2] =	stream.indirect.gather @!p1 [hbm4b:s3+s4], $0x40, s11, s4, $0xb8;
	[tilespmem:$0x16400] =	vst v63  }
0x9a: {  	s1 =	sadd.s32 $0x28000, s7  }
0x9b: {  	[hbm4b:s1+s2] =	stream.linear.scatter [tilespmem:s18], [sflag:$0xE], $0x2000, $0x38;
	[tilespmem:$0x16400] =	vst v63  }
0x9c: {  	_ =	swait.ge [sflag:s28], $0x2000  }
0x9d: {  	[sflag:s28] =	ssyncset.done $0x0  }
0x9e: {  	[sflag:s28] =	ssyncadd.s32 $0xFFFFE000  }
0x9f: {  	_ =	swait.ge [sflag:s29], $0x2000  }
0xa0: {  	[sflag:s29] =	ssyncset.done $0x0  }
0xa1: {  	s1 =	simm.s32 @!p1 $0xA400;
	[sflag:s29] =	ssyncadd.s32 $0xFFFFE000  }
0xa2: {  	[tilespmem:s1], [sflag:$0x3] =	stream.indirect.gather @!p1 [hbm4b:s3+s4], $0x40, s13, s4, $0xb8;
	[tilespmem:$0x16400] =	vst v63  }
0xa3: {  	s1 =	sadd.s32 $0x30000, s7  }
0xa4: {  	[hbm4b:s1+s2] =	stream.linear.scatter [tilespmem:s20], [sflag:$0xF], $0x2000, $0x38;
	[tilespmem:$0x16400] =	vst v63  }
0xa5: {  	_ =	swait.ge [sflag:s30], $0x2000  }
0xa6: {  	[sflag:s30] =	ssyncset.done $0x0  }
0xa7: {  	[sflag:s30] =	ssyncadd.s32 $0xFFFFE000  }
.Ltmp0:
0xa8: {  	_ =	swait.ge [sflag:s31], $0x2000;
	(pc) =	sbr.rel @p0 .LBB2_2-.Ltmp0, $4  }
0xa9: {  	[sflag:s31] =	ssyncset.done $0x0  }
0xaa: {  	s1 =	simm.s32 @!p1 $0xC400;
	[sflag:s31] =	ssyncadd.s32 $0xFFFFE000  }
0xab: {  	[tilespmem:s1], [sflag:$0x4] =	stream.indirect.gather @!p1 [hbm4b:s3+s4], $0x40, s0, s4, $0xb8;
	[tilespmem:$0x16400] =	vst v63  }
0xac: {  	s0 =	sadd.s32 $0x38000, s7;
	s7 =	sadd.s32 $0x40000, s7  }
0xad: {  	[hbm4b:s0+s2] =	stream.linear.scatter [tilespmem:s22], [sflag:$0x10], $0x2000, $0x38;
	[tilespmem:$0x16400] =	vst v63  }
0xae: {  	s5 =	simm.s32 $0xD  }
0xaf: {  	_ =	swait.ge [sflag:s5], $0x2000  }
0xb0: {  	[sflag:s5] =	ssyncset.done $0x0  }
0xb1: {  	s7 =	simm.s32 $0xE;
	[sflag:s5] =	ssyncadd.s32 $0xFFFFE000  }
0xb2: {  	_ =	swait.ge [sflag:s7], $0x2000  }
0xb3: {  	[sflag:s7] =	ssyncset.done $0x0  }
0xb4: {  	s11 =	simm.s32 $0xF;
	[sflag:s7] =	ssyncadd.s32 $0xFFFFE000  }
0xb5: {  	_ =	swait.ge [sflag:s11], $0x2000  }
0xb6: {  	[sflag:s11] =	ssyncset.done $0x0  }
0xb7: {  	s1 =	simm.s32 $0x10;
	[sflag:s11] =	ssyncadd.s32 $0xFFFFE000  }
0xb8: {  	_ =	swait.ge [sflag:s1], $0x2000  }
0xb9: {  	s4 =	rddreg [dreg:$0x5]  }
0xba: {  	s13 =	rddreg [dreg:$0x4];
	s4 =	sadd.s32 $0x1, s4  }
0xbb: {  	p0 =	sne.s32 s4, s13  }
.Ltmp1:
0xbc: {  	_ = 	snop;
	(pc) =	sbr.rel @p0 .LBB2_1-.Ltmp1, $3  }
0xbd: {  	_ =	sdelay $0x1  }
0xbe: {  	[sflag:s1] =	ssyncset.done $0x0  }
0xbf: {  	[sflag:s1] =	ssyncadd.s32 $0xFFFFE000  }
0xc0: {  	_ =	sfence.sel $0x180000  }
0xc1: {  	[bflag:$0x0] =	sbarrier.arrive $0xFFFF  }
0xc2: {  	_ =	strace $0x90000047  }
0xc3: {  	s0 =	stileid.u32;
	[bflag:$0x2] =	sbarrier.arrive $0xFFFF  }
0xc4: {  	p0 =	sne.s32 s0, $0x0;
	s0 =	rddreg [dreg:$0x2]  }
0xc5: {  	s0 =	sadd.s32 @!p0 $0x100000, s0  }
0xc6: {  	[sflag:s0] =	ssyncadd.tile.s32 @!p0 $0x1;
	_ =	shalt  }
.Lfunc_end2:
_tile_overlayer_lowered:
.L_overlay_start_2:
0xc7: {  	(tag) =	ssettag $0x2  }
0xc8: {  	s0 =	rddreg [dreg:$0x0];
	s2 =	stileid.u32  }
0xc9: {  	s1 =	rddreg [dreg:$0x1];
	p0 =	sne.s32 s2, $0x0  }
0xca: {  	s3 =	rddreg [dreg:$0x2];
	[bflag:$0x3] =	sbarrier.arrive $0xFFFF;
	s2 =	simm.s32 @!p0 $0x1C11  }
0xcb: {  	[timem:s3], [sflag:s2] =	dma.local @!p0 [hbm:s0], s1  }
0xcc: {  	s0 =	simm.s32 @!p0 $0x11  }
0xcd: {  	_ =	swait.ge @!p0 [sflag:s0], s1  }
0xce: {  	s1 =	ssub.s32 @!p0 $0x0, s1;
	[sflag:s0] =	ssyncset.done @!p0 $0x0  }
0xcf: {  	[sflag:s0] =	ssyncadd.s32 @!p0 s1  }
0xd0: {  	[bflag:$0x3] =	sbarrier.arrive $0xFFFF  }
0xd1: {  	_ =	shalt  }

</sc_bundles>
